<compile_context>
chip_gen: v7x
topology: tpu7x:2x2x1
jax: 0.10.2.dev20260603
libtpu: 0.0.44.dev20260713+nightly
codegen_flags: <defaults>
</compile_context>

<pallas_src>
import functools

import jax
import jax.numpy as jnp
from jax import lax
from jax.experimental import pallas as pl
from jax.experimental.pallas import tpu as pltpu
from jax.experimental.pallas import tpu_sc as plsc

VOCAB = 1000000
EMBED = 64
HIDDEN = 512
NUM_CLASSES = 128
BATCH = 4096
SEQ = 200

_XPAD = 256
_CA = 128
_CB = SEQ - _CA
_EG = EMBED // 16


def _make_sc_pool():
    info = plsc.get_sparse_core_info()
    nc, ns = info.num_cores, info.num_subcores
    nw = nc * ns
    rows_per_w = BATCH // nw

    mesh = plsc.VectorSubcoreMesh(core_axis_name="c", subcore_axis_name="s")

    @functools.partial(
        pl.kernel,
        mesh=mesh,
        compiler_params=pltpu.CompilerParams(use_tc_tiling_on_sc=False),
        out_type=jax.ShapeDtypeStruct((BATCH, EMBED), jnp.float32),
        scratch_types=[
            pltpu.VMEM((rows_per_w, _XPAD), jnp.int32),
            pltpu.VMEM((_CA, EMBED), jnp.float32),
            pltpu.VMEM((_CA, EMBED), jnp.float32),
            pltpu.VMEM((_CB, EMBED), jnp.float32),
            pltpu.VMEM((_CB, EMBED), jnp.float32),
            pltpu.VMEM((rows_per_w, EMBED), jnp.float32),
            pltpu.SemaphoreType.DMA,
            pltpu.SemaphoreType.DMA,
            pltpu.SemaphoreType.DMA,
            pltpu.SemaphoreType.DMA,
        ],
    )
    def sc_pool(x_hbm, table_hbm, out_hbm, idx_v, bufa0, bufa1, bufb0, bufb1,
                out_v, sema0, sema1, semb0, semb1):
        wid = lax.axis_index("s") * nc + lax.axis_index("c")
        row0 = wid * rows_per_w

        pltpu.sync_copy(x_hbm.at[pl.ds(row0, rows_per_w)], idx_v)

        def fire(i, buf, sem, off, n):
            pltpu.async_copy(
                table_hbm.at[idx_v.at[i, pl.ds(off, n)]], buf, sem)

        def wait(buf, sem):
            pltpu.make_async_copy(
                table_hbm.at[idx_v.at[0, pl.ds(0, buf.shape[0])]], buf,
                sem).wait()

        def sum_chunk(buf, n, acc):
            def body(r, a):
                return tuple(
                    a[g] + buf[r, pl.ds(16 * g, 16)] for g in range(_EG)
                )
            return lax.fori_loop(0, n, body, acc, unroll=4)

        zero = jnp.zeros((16,), jnp.float32)

        fire(0, bufa0, sema0, 0, _CA)
        fire(0, bufb0, semb0, _CA, _CB)

        def do_row(i, bufa, sema, bufb, semb, fire_next, next_a, next_sa,
                   next_b, next_sb):
            @pl.when(fire_next)
            def _():
                fire(i + 1, next_a, next_sa, 0, _CA)
                fire(i + 1, next_b, next_sb, _CA, _CB)

            wait(bufa, sema)
            acc = sum_chunk(bufa, _CA, (zero,) * _EG)
            wait(bufb, semb)
            acc = sum_chunk(bufb, _CB, acc)
            for g in range(_EG):
                out_v[i, pl.ds(16 * g, 16)] = acc[g]

        def pair_body(k, _):
            i = 2 * k
            do_row(i, bufa0, sema0, bufb0, semb0, True,
                   bufa1, sema1, bufb1, semb1)
            do_row(i + 1, bufa1, sema1, bufb1, semb1,
                   i + 2 < rows_per_w, bufa0, sema0, bufb0, semb0)
            return 0

        lax.fori_loop(0, rows_per_w // 2, pair_body, 0)

        pltpu.sync_copy(out_v, out_hbm.at[pl.ds(row0, rows_per_w)])

    return sc_pool


_sc_pool = None


def _mlp_body(p_ref, w1_ref, b1_ref, w2_ref, b2_ref, o_ref):
    p = p_ref[...] * (1.0 / SEQ)
    h = jnp.dot(p, w1_ref[...], preferred_element_type=jnp.float32)
    h = jnp.maximum(h + b1_ref[...], 0.0)
    o = jnp.dot(h, w2_ref[...], preferred_element_type=jnp.float32)
    o_ref[...] = o + b2_ref[...]


def _mlp(pooled, W1, b1, W2, b2):
    blk = 512
    return pl.pallas_call(
        _mlp_body,
        grid=(BATCH // blk,),
        in_specs=[
            pl.BlockSpec((blk, EMBED), lambda i: (i, 0)),
            pl.BlockSpec((EMBED, HIDDEN), lambda i: (0, 0)),
            pl.BlockSpec((1, HIDDEN), lambda i: (0, 0)),
            pl.BlockSpec((HIDDEN, NUM_CLASSES), lambda i: (0, 0)),
            pl.BlockSpec((1, NUM_CLASSES), lambda i: (0, 0)),
        ],
        out_specs=pl.BlockSpec((blk, NUM_CLASSES), lambda i: (i, 0)),
        out_shape=jax.ShapeDtypeStruct((BATCH, NUM_CLASSES), jnp.float32),
    )(pooled, W1, b1.reshape(1, HIDDEN), W2, b2.reshape(1, NUM_CLASSES))


def kernel(x, table, W1, b1, W2, b2):
    global _sc_pool
    if _sc_pool is None:
        _sc_pool = _make_sc_pool()
    x256 = jnp.pad(x.astype(jnp.int32), ((0, 0), (0, _XPAD - SEQ)))
    pooled = _sc_pool(x256, table)
    return _mlp(pooled, W1, b1, W2, b2)

# --- scband reference (transcript-rebuilt; emitter-appended) ---
"""Pipeline reference for scband-text-classifier-17282948399154 (READ-ONLY COPY).

The authoritative reference and input builder live on the scoring server;
editing this copy changes nothing except your own understanding.
"""

import jax, jax.numpy as jnp
import numpy as np

VOCAB = 1000000
EMBED = 64
HIDDEN = 512
NUM_CLASSES = 128
BATCH = 4096
SEQ = 200

def setup_inputs(seed: int = 0) -> dict:
    key = jax.random.key(seed)
    k1, k2, k3, k4, k5, k6 = jax.random.split(key, 6)
    x = jax.random.randint(k1, (BATCH, SEQ), 0, VOCAB, dtype=jnp.int64) if jax.config.jax_enable_x64 else jax.random.randint(k1, (BATCH, SEQ), 0, VOCAB, dtype=jnp.int32)
    table = jax.random.normal(k2, (VOCAB, EMBED), dtype=jnp.float32) * 0.02
    W1 = jax.random.normal(k3, (EMBED, HIDDEN), dtype=jnp.float32) * (1.0 / np.sqrt(EMBED))
    b1 = jnp.zeros((HIDDEN,), dtype=jnp.float32)
    W2 = jax.random.normal(k4, (HIDDEN, NUM_CLASSES), dtype=jnp.float32) * (1.0 / np.sqrt(HIDDEN))
    b2 = jnp.zeros((NUM_CLASSES,), dtype=jnp.float32)
    return {"x": x, "table": table, "W1": W1, "b1": b1, "W2": W2, "b2": b2}

def reference(x, table, W1, b1, W2, b2):
    # embedding lookup (gather)
    h = jnp.take(table, x, axis=0)          # [B, S, E]
    h = jnp.mean(h, axis=1)                  # [B, E]
    h = jax.nn.relu(h @ W1 + b1)             # [B, H]
    out = h @ W2 + b2                        # [B, C]
    return out

if __name__ == "__main__":
    import jax
    _d = setup_inputs()
    print(jax.jit(kernel)(*tuple(_d.values())))

</pallas_src>

<mosaic_0001>
#map = affine_map<(d0, d1) -> (0, 0)>
module attributes {stable_mosaic.version = 14 : i64} {
  func.func @sc_pool(%arg0: i32, %arg1: i32, %arg2: memref<4096x256xi32, #tpu.memory_space<hbm>>, %arg3: memref<1000000x64xf32, #tpu.memory_space<hbm>>, %arg4: memref<4096x64xf32, #tpu.memory_space<hbm>>, %arg5: memref<128x256xi32, #tpu.memory_space<vmem>>, %arg6: memref<128x64xf32, #tpu.memory_space<vmem>>, %arg7: memref<128x64xf32, #tpu.memory_space<vmem>>, %arg8: memref<72x64xf32, #tpu.memory_space<vmem>>, %arg9: memref<72x64xf32, #tpu.memory_space<vmem>>, %arg10: memref<128x64xf32, #tpu.memory_space<vmem>>, %arg11: memref<!tpu.dma_semaphore, #tpu.memory_space<semaphore_mem>>, %arg12: memref<!tpu.dma_semaphore, #tpu.memory_space<semaphore_mem>>, %arg13: memref<!tpu.dma_semaphore, #tpu.memory_space<semaphore_mem>>, %arg14: memref<!tpu.dma_semaphore, #tpu.memory_space<semaphore_mem>>) attributes {dimension_semantics = [#tpu.dimension_semantics<core_parallel>, #tpu.dimension_semantics<subcore_parallel>], iteration_bounds = array<i64: 2, 16>, scalar_prefetch = 0 : i64, scratch_operands = 10 : i64, tpu.core_type = #tpu.core_type<sc_vector_subcore>, window_params = [{transform_indices = #map}, {transform_indices = #map}, {transform_indices = #map}]} {
    %mul3A = arith.constant 2 : i32
    %mul3A_0 = arith.muli %arg1, %mul3A : i32
    %add3A = arith.addi %mul3A_0, %arg0 : i32
    %mul3A_1 = arith.constant 128 : i32
    %mul3A_2 = arith.muli %add3A, %mul3A_1 : i32
    "tpu.region"() ({
      %run_scoped3A = tpu.sem_alloc : memref<!tpu.dma_semaphore, #tpu.memory_space<semaphore_mem>>
      %dma_start3A_23 = arith.constant 0 : i32
      %dma_start3A_24 = tpu.memref_slice %arg2[%mul3A_2, %dma_start3A_23] : memref<4096x256xi32, #tpu.memory_space<hbm>> -> memref<128x256xi32, #tpu.memory_space<hbm>>
      %dma_start3A_25 = arith.constant 0 : i32
      %dma_start3A_26 = tpu.memref_slice %arg2[%mul3A_2, %dma_start3A_25] : memref<4096x256xi32, #tpu.memory_space<hbm>> -> memref<128x256xi32, #tpu.memory_space<hbm>>
      tpu.enqueue_dma source(%dma_start3A_26 : memref<128x256xi32, #tpu.memory_space<hbm>>) target(%arg5 : memref<128x256xi32, #tpu.memory_space<vmem>>) target_semaphore(%run_scoped3A : memref<!tpu.dma_semaphore, #tpu.memory_space<semaphore_mem>>)
      %dma_wait3A = arith.constant 0 : i32
      %dma_wait3A_27 = tpu.memref_slice %arg2[%mul3A_2, %dma_wait3A] : memref<4096x256xi32, #tpu.memory_space<hbm>> -> memref<128x256xi32, #tpu.memory_space<hbm>>
      %dma_wait3A_28 = arith.constant 0 : i32
      %dma_wait3A_29 = tpu.memref_slice %arg2[%mul3A_2, %dma_wait3A_28] : memref<4096x256xi32, #tpu.memory_space<hbm>> -> memref<128x256xi32, #tpu.memory_space<hbm>>
      tpu.wait_dma2 semaphore(%run_scoped3A : memref<!tpu.dma_semaphore, #tpu.memory_space<semaphore_mem>>) src(%dma_wait3A_29 : memref<128x256xi32, #tpu.memory_space<hbm>>) dst(%arg5 : memref<128x256xi32, #tpu.memory_space<vmem>>)
      tpu.yield
    }) : () -> ()
    %broadcast_in_dim3A = arith.constant 0.000000e+00 : f32
    %broadcast_in_dim3A_3 = vector.broadcast %broadcast_in_dim3A : f32 to vector<16xf32>
    %dma_start3A = arith.constant 0 : i32
    %dma_start3A_4 = arith.constant 0 : i32
    %dma_start3A_5 = tpu.memref_slice %arg5[%dma_start3A, %dma_start3A_4] : memref<128x256xi32, #tpu.memory_space<vmem>> -> memref<1x128xi32, #tpu.memory_space<vmem>>
    %dma_start3A_6 = tpu.memref_squeeze %dma_start3A_5 : memref<1x128xi32, #tpu.memory_space<vmem>> -> memref<128xi32, #tpu.memory_space<vmem>>
    %dma_start3A_7 = arith.constant 0 : i32
    %dma_start3A_8 = arith.constant 0 : i32
    %dma_start3A_9 = tpu.memref_slice %arg3[%dma_start3A_7, %dma_start3A_8] : memref<1000000x64xf32, #tpu.memory_space<hbm>> -> memref<1000000x64xf32, #tpu.memory_space<hbm>>
    tpu.enqueue_indirect_dma source(%dma_start3A_9 : memref<1000000x64xf32, #tpu.memory_space<hbm>>) target(%arg6 : memref<128x64xf32, #tpu.memory_space<vmem>>) offsets(%dma_start3A_6 : memref<128xi32, #tpu.memory_space<vmem>>) semaphore(%arg11 : memref<!tpu.dma_semaphore, #tpu.memory_space<semaphore_mem>>)
    %dma_start3A_10 = arith.constant 0 : i32
    %dma_start3A_11 = arith.constant 128 : i32
    %dma_start3A_12 = tpu.memref_slice %arg5[%dma_start3A_10, %dma_start3A_11] : memref<128x256xi32, #tpu.memory_space<vmem>> -> memref<1x72xi32, #tpu.memory_space<vmem>>
    %dma_start3A_13 = tpu.memref_squeeze %dma_start3A_12 : memref<1x72xi32, #tpu.memory_space<vmem>> -> memref<72xi32, #tpu.memory_space<vmem>>
    %dma_start3A_14 = arith.constant 0 : i32
    %dma_start3A_15 = arith.constant 0 : i32
    %dma_start3A_16 = tpu.memref_slice %arg3[%dma_start3A_14, %dma_start3A_15] : memref<1000000x64xf32, #tpu.memory_space<hbm>> -> memref<1000000x64xf32, #tpu.memory_space<hbm>>
    tpu.enqueue_indirect_dma source(%dma_start3A_16 : memref<1000000x64xf32, #tpu.memory_space<hbm>>) target(%arg8 : memref<72x64xf32, #tpu.memory_space<vmem>>) offsets(%dma_start3A_13 : memref<72xi32, #tpu.memory_space<vmem>>) semaphore(%arg13 : memref<!tpu.dma_semaphore, #tpu.memory_space<semaphore_mem>>)
    %scan3A = arith.constant 0 : i32
    %scan3A_17 = arith.constant 0 : i32
    %scan3A_18 = arith.constant 64 : i32
    %scan3A_19 = arith.addi %scan3A_17, %scan3A_18 : i32
    %scan3A_20 = arith.constant 1 : i32
    %scan3A_21 = scf.for %scan3A_23 = %scan3A_17 to %scan3A_19 step %scan3A_20 iter_args(%scan3A_24 = %scan3A) -> (i32)  : i32 {
      %mul3A_25 = arith.constant 2 : i32
      %mul3A_26 = arith.muli %mul3A_25, %scan3A_23 : i32
      %add3A_27 = arith.constant 1 : i32
      %add3A_28 = arith.addi %mul3A_26, %add3A_27 : i32
      %dma_start3A_29 = arith.constant 0 : i32
      %dma_start3A_30 = tpu.memref_slice %arg5[%add3A_28, %dma_start3A_29] : memref<128x256xi32, #tpu.memory_space<vmem>> -> memref<1x128xi32, #tpu.memory_space<vmem>>
      %dma_start3A_31 = tpu.memref_squeeze %dma_start3A_30 : memref<1x128xi32, #tpu.memory_space<vmem>> -> memref<128xi32, #tpu.memory_space<vmem>>
      %dma_start3A_32 = arith.constant 0 : i32
      %dma_start3A_33 = arith.constant 0 : i32
      %dma_start3A_34 = tpu.memref_slice %arg3[%dma_start3A_32, %dma_start3A_33] : memref<1000000x64xf32, #tpu.memory_space<hbm>> -> memref<1000000x64xf32, #tpu.memory_space<hbm>>
      tpu.enqueue_indirect_dma source(%dma_start3A_34 : memref<1000000x64xf32, #tpu.memory_space<hbm>>) target(%arg7 : memref<128x64xf32, #tpu.memory_space<vmem>>) offsets(%dma_start3A_31 : memref<128xi32, #tpu.memory_space<vmem>>) semaphore(%arg12 : memref<!tpu.dma_semaphore, #tpu.memory_space<semaphore_mem>>)
      %add3A_35 = arith.constant 1 : i32
      %add3A_36 = arith.addi %mul3A_26, %add3A_35 : i32
      %dma_start3A_37 = arith.constant 128 : i32
      %dma_start3A_38 = tpu.memref_slice %arg5[%add3A_36, %dma_start3A_37] : memref<128x256xi32, #tpu.memory_space<vmem>> -> memref<1x72xi32, #tpu.memory_space<vmem>>
      %dma_start3A_39 = tpu.memref_squeeze %dma_start3A_38 : memref<1x72xi32, #tpu.memory_space<vmem>> -> memref<72xi32, #tpu.memory_space<vmem>>
      %dma_start3A_40 = arith.constant 0 : i32
      %dma_start3A_41 = arith.constant 0 : i32
      %dma_start3A_42 = tpu.memref_slice %arg3[%dma_start3A_40, %dma_start3A_41] : memref<1000000x64xf32, #tpu.memory_space<hbm>> -> memref<1000000x64xf32, #tpu.memory_space<hbm>>
      tpu.enqueue_indirect_dma source(%dma_start3A_42 : memref<1000000x64xf32, #tpu.memory_space<hbm>>) target(%arg9 : memref<72x64xf32, #tpu.memory_space<vmem>>) offsets(%dma_start3A_39 : memref<72xi32, #tpu.memory_space<vmem>>) semaphore(%arg14 : memref<!tpu.dma_semaphore, #tpu.memory_space<semaphore_mem>>)
      %dma_wait3A = arith.constant 0 : i32
      %dma_wait3A_43 = arith.constant 0 : i32
      %dma_wait3A_44 = tpu.memref_slice %arg5[%dma_wait3A, %dma_wait3A_43] : memref<128x256xi32, #tpu.memory_space<vmem>> -> memref<1x128xi32, #tpu.memory_space<vmem>>
      %dma_wait3A_45 = tpu.memref_squeeze %dma_wait3A_44 : memref<1x128xi32, #tpu.memory_space<vmem>> -> memref<128xi32, #tpu.memory_space<vmem>>
      %dma_wait3A_46 = arith.constant 0 : i32
      %dma_wait3A_47 = arith.constant 0 : i32
      %dma_wait3A_48 = tpu.memref_slice %arg3[%dma_wait3A_46, %dma_wait3A_47] : memref<1000000x64xf32, #tpu.memory_space<hbm>> -> memref<1000000x64xf32, #tpu.memory_space<hbm>>
      tpu.wait_indirect_dma semaphore(%arg11 : memref<!tpu.dma_semaphore, #tpu.memory_space<semaphore_mem>>) src(%dma_wait3A_48 : memref<1000000x64xf32, #tpu.memory_space<hbm>>) dst(%arg6 : memref<128x64xf32, #tpu.memory_space<vmem>>)
      %scan3A_49 = arith.constant 0 : i32
      %scan3A_50 = arith.constant 128 : i32
      %scan3A_51 = arith.addi %scan3A_49, %scan3A_50 : i32
      %scan3A_52 = arith.constant 4 : i32
      %scan3A_53:4 = scf.for %scan3A_140 = %scan3A_49 to %scan3A_51 step %scan3A_52 iter_args(%scan3A_141 = %broadcast_in_dim3A_3, %scan3A_142 = %broadcast_in_dim3A_3, %scan3A_143 = %broadcast_in_dim3A_3, %scan3A_144 = %broadcast_in_dim3A_3) -> (vector<16xf32>, vector<16xf32>, vector<16xf32>, vector<16xf32>)  : i32 {
        %get3A = arith.index_cast %scan3A_140 : i32 to index
        %get3A_145 = arith.constant 0 : index
        %get3A_146 = tpu.vector_load %arg6[%get3A, %get3A_145] {strides = array<i32>} : memref<128x64xf32, #tpu.memory_space<vmem>>, vector<1x16xf32>,
        %get3A_147 = vector.shape_cast %get3A_146 : vector<1x16xf32> to vector<16xf32>
        %add3A_148 = arith.addf %scan3A_141, %get3A_147 : vector<16xf32>
        %get3A_149 = arith.index_cast %scan3A_140 : i32 to index
        %get3A_150 = arith.constant 16 : index
        %get3A_151 = tpu.vector_load %arg6[%get3A_149, %get3A_150] {strides = array<i32>} : memref<128x64xf32, #tpu.memory_space<vmem>>, vector<1x16xf32>,
        %get3A_152 = vector.shape_cast %get3A_151 : vector<1x16xf32> to vector<16xf32>
        %add3A_153 = arith.addf %scan3A_142, %get3A_152 : vector<16xf32>
        %get3A_154 = arith.index_cast %scan3A_140 : i32 to index
        %get3A_155 = arith.constant 32 : index
        %get3A_156 = tpu.vector_load %arg6[%get3A_154, %get3A_155] {strides = array<i32>} : memref<128x64xf32, #tpu.memory_space<vmem>>, vector<1x16xf32>,
        %get3A_157 = vector.shape_cast %get3A_156 : vector<1x16xf32> to vector<16xf32>
        %add3A_158 = arith.addf %scan3A_143, %get3A_157 : vector<16xf32>
        %get3A_159 = arith.index_cast %scan3A_140 : i32 to index
        %get3A_160 = arith.constant 48 : index
        %get3A_161 = tpu.vector_load %arg6[%get3A_159, %get3A_160] {strides = array<i32>} : memref<128x64xf32, #tpu.memory_space<vmem>>, vector<1x16xf32>,
        %get3A_162 = vector.shape_cast %get3A_161 : vector<1x16xf32> to vector<16xf32>
        %add3A_163 = arith.addf %scan3A_144, %get3A_162 : vector<16xf32>
        %scan3A_164 = arith.constant 1 : i32
        %scan3A_165 = arith.addi %scan3A_140, %scan3A_164 : i32
        %get3A_166 = arith.index_cast %scan3A_165 : i32 to index
        %get3A_167 = arith.constant 0 : index
        %get3A_168 = tpu.vector_load %arg6[%get3A_166, %get3A_167] {strides = array<i32>} : memref<128x64xf32, #tpu.memory_space<vmem>>, vector<1x16xf32>,
        %get3A_169 = vector.shape_cast %get3A_168 : vector<1x16xf32> to vector<16xf32>
        %add3A_170 = arith.addf %add3A_148, %get3A_169 : vector<16xf32>
        %get3A_171 = arith.index_cast %scan3A_165 : i32 to index
        %get3A_172 = arith.constant 16 : index
        %get3A_173 = tpu.vector_load %arg6[%get3A_171, %get3A_172] {strides = array<i32>} : memref<128x64xf32, #tpu.memory_space<vmem>>, vector<1x16xf32>,
        %get3A_174 = vector.shape_cast %get3A_173 : vector<1x16xf32> to vector<16xf32>
        %add3A_175 = arith.addf %add3A_153, %get3A_174 : vector<16xf32>
        %get3A_176 = arith.index_cast %scan3A_165 : i32 to index
        %get3A_177 = arith.constant 32 : index
        %get3A_178 = tpu.vector_load %arg6[%get3A_176, %get3A_177] {strides = array<i32>} : memref<128x64xf32, #tpu.memory_space<vmem>>, vector<1x16xf32>,
        %get3A_179 = vector.shape_cast %get3A_178 : vector<1x16xf32> to vector<16xf32>
        %add3A_180 = arith.addf %add3A_158, %get3A_179 : vector<16xf32>
        %get3A_181 = arith.index_cast %scan3A_165 : i32 to index
        %get3A_182 = arith.constant 48 : index
        %get3A_183 = tpu.vector_load %arg6[%get3A_181, %get3A_182] {strides = array<i32>} : memref<128x64xf32, #tpu.memory_space<vmem>>, vector<1x16xf32>,
        %get3A_184 = vector.shape_cast %get3A_183 : vector<1x16xf32> to vector<16xf32>
        %add3A_185 = arith.addf %add3A_163, %get3A_184 : vector<16xf32>
        %scan3A_186 = arith.constant 2 : i32
        %scan3A_187 = arith.addi %scan3A_140, %scan3A_186 : i32
        %get3A_188 = arith.index_cast %scan3A_187 : i32 to index
        %get3A_189 = arith.constant 0 : index
        %get3A_190 = tpu.vector_load %arg6[%get3A_188, %get3A_189] {strides = array<i32>} : memref<128x64xf32, #tpu.memory_space<vmem>>, vector<1x16xf32>,
        %get3A_191 = vector.shape_cast %get3A_190 : vector<1x16xf32> to vector<16xf32>
        %add3A_192 = arith.addf %add3A_170, %get3A_191 : vector<16xf32>
        %get3A_193 = arith.index_cast %scan3A_187 : i32 to index
        %get3A_194 = arith.constant 16 : index
        %get3A_195 = tpu.vector_load %arg6[%get3A_193, %get3A_194] {strides = array<i32>} : memref<128x64xf32, #tpu.memory_space<vmem>>, vector<1x16xf32>,
        %get3A_196 = vector.shape_cast %get3A_195 : vector<1x16xf32> to vector<16xf32>
        %add3A_197 = arith.addf %add3A_175, %get3A_196 : vector<16xf32>
        %get3A_198 = arith.index_cast %scan3A_187 : i32 to index
        %get3A_199 = arith.constant 32 : index
        %get3A_200 = tpu.vector_load %arg6[%get3A_198, %get3A_199] {strides = array<i32>} : memref<128x64xf32, #tpu.memory_space<vmem>>, vector<1x16xf32>,
        %get3A_201 = vector.shape_cast %get3A_200 : vector<1x16xf32> to vector<16xf32>
        %add3A_202 = arith.addf %add3A_180, %get3A_201 : vector<16xf32>
        %get3A_203 = arith.index_cast %scan3A_187 : i32 to index
        %get3A_204 = arith.constant 48 : index
        %get3A_205 = tpu.vector_load %arg6[%get3A_203, %get3A_204] {strides = array<i32>} : memref<128x64xf32, #tpu.memory_space<vmem>>, vector<1x16xf32>,
        %get3A_206 = vector.shape_cast %get3A_205 : vector<1x16xf32> to vector<16xf32>
        %add3A_207 = arith.addf %add3A_185, %get3A_206 : vector<16xf32>
        %scan3A_208 = arith.constant 3 : i32
        %scan3A_209 = arith.addi %scan3A_140, %scan3A_208 : i32
        %get3A_210 = arith.index_cast %scan3A_209 : i32 to index
        %get3A_211 = arith.constant 0 : index
        %get3A_212 = tpu.vector_load %arg6[%get3A_210, %get3A_211] {strides = array<i32>} : memref<128x64xf32, #tpu.memory_space<vmem>>, vector<1x16xf32>,
        %get3A_213 = vector.shape_cast %get3A_212 : vector<1x16xf32> to vector<16xf32>
        %add3A_214 = arith.addf %add3A_192, %get3A_213 : vector<16xf32>
        %get3A_215 = arith.index_cast %scan3A_209 : i32 to index
        %get3A_216 = arith.constant 16 : index
        %get3A_217 = tpu.vector_load %arg6[%get3A_215, %get3A_216] {strides = array<i32>} : memref<128x64xf32, #tpu.memory_space<vmem>>, vector<1x16xf32>,
        %get3A_218 = vector.shape_cast %get3A_217 : vector<1x16xf32> to vector<16xf32>
        %add3A_219 = arith.addf %add3A_197, %get3A_218 : vector<16xf32>
        %get3A_220 = arith.index_cast %scan3A_209 : i32 to index
        %get3A_221 = arith.constant 32 : index
        %get3A_222 = tpu.vector_load %arg6[%get3A_220, %get3A_221] {strides = array<i32>} : memref<128x64xf32, #tpu.memory_space<vmem>>, vector<1x16xf32>,
        %get3A_223 = vector.shape_cast %get3A_222 : vector<1x16xf32> to vector<16xf32>
        %add3A_224 = arith.addf %add3A_202, %get3A_223 : vector<16xf32>
        %get3A_225 = arith.index_cast %scan3A_209 : i32 to index
        %get3A_226 = arith.constant 48 : index
        %get3A_227 = tpu.vector_load %arg6[%get3A_225, %get3A_226] {strides = array<i32>} : memref<128x64xf32, #tpu.memory_space<vmem>>, vector<1x16xf32>,
        %get3A_228 = vector.shape_cast %get3A_227 : vector<1x16xf32> to vector<16xf32>
        %add3A_229 = arith.addf %add3A_207, %get3A_228 : vector<16xf32>
        scf.yield %add3A_214, %add3A_219, %add3A_224, %add3A_229 : vector<16xf32>, vector<16xf32>, vector<16xf32>, vector<16xf32>
      }
      %scan3A_54 = arith.constant 128 : i32
      %dma_wait3A_55 = arith.constant 0 : i32
      %dma_wait3A_56 = arith.constant 0 : i32
      %dma_wait3A_57 = tpu.memref_slice %arg5[%dma_wait3A_55, %dma_wait3A_56] : memref<128x256xi32, #tpu.memory_space<vmem>> -> memref<1x72xi32, #tpu.memory_space<vmem>>
      %dma_wait3A_58 = tpu.memref_squeeze %dma_wait3A_57 : memref<1x72xi32, #tpu.memory_space<vmem>> -> memref<72xi32, #tpu.memory_space<vmem>>
      %dma_wait3A_59 = arith.constant 0 : i32
      %dma_wait3A_60 = arith.constant 0 : i32
      %dma_wait3A_61 = tpu.memref_slice %arg3[%dma_wait3A_59, %dma_wait3A_60] : memref<1000000x64xf32, #tpu.memory_space<hbm>> -> memref<1000000x64xf32, #tpu.memory_space<hbm>>
      tpu.wait_indirect_dma semaphore(%arg13 : memref<!tpu.dma_semaphore, #tpu.memory_space<semaphore_mem>>) src(%dma_wait3A_61 : memref<1000000x64xf32, #tpu.memory_space<hbm>>) dst(%arg8 : memref<72x64xf32, #tpu.memory_space<vmem>>)
      %scan3A_62 = arith.constant 0 : i32
      %scan3A_63 = arith.constant 72 : i32
      %scan3A_64 = arith.addi %scan3A_62, %scan3A_63 : i32
      %scan3A_65 = arith.constant 4 : i32
      %scan3A_66:4 = scf.for %scan3A_140 = %scan3A_62 to %scan3A_64 step %scan3A_65 iter_args(%scan3A_141 = %scan3A_53#0, %scan3A_142 = %scan3A_53#1, %scan3A_143 = %scan3A_53#2, %scan3A_144 = %scan3A_53#3) -> (vector<16xf32>, vector<16xf32>, vector<16xf32>, vector<16xf32>)  : i32 {
        %get3A = arith.index_cast %scan3A_140 : i32 to index
        %get3A_145 = arith.constant 0 : index
        %get3A_146 = tpu.vector_load %arg8[%get3A, %get3A_145] {strides = array<i32>} : memref<72x64xf32, #tpu.memory_space<vmem>>, vector<1x16xf32>,
        %get3A_147 = vector.shape_cast %get3A_146 : vector<1x16xf32> to vector<16xf32>
        %add3A_148 = arith.addf %scan3A_141, %get3A_147 : vector<16xf32>
        %get3A_149 = arith.index_cast %scan3A_140 : i32 to index
        %get3A_150 = arith.constant 16 : index
        %get3A_151 = tpu.vector_load %arg8[%get3A_149, %get3A_150] {strides = array<i32>} : memref<72x64xf32, #tpu.memory_space<vmem>>, vector<1x16xf32>,
        %get3A_152 = vector.shape_cast %get3A_151 : vector<1x16xf32> to vector<16xf32>
        %add3A_153 = arith.addf %scan3A_142, %get3A_152 : vector<16xf32>
        %get3A_154 = arith.index_cast %scan3A_140 : i32 to index
        %get3A_155 = arith.constant 32 : index
        %get3A_156 = tpu.vector_load %arg8[%get3A_154, %get3A_155] {strides = array<i32>} : memref<72x64xf32, #tpu.memory_space<vmem>>, vector<1x16xf32>,
        %get3A_157 = vector.shape_cast %get3A_156 : vector<1x16xf32> to vector<16xf32>
        %add3A_158 = arith.addf %scan3A_143, %get3A_157 : vector<16xf32>
        %get3A_159 = arith.index_cast %scan3A_140 : i32 to index
        %get3A_160 = arith.constant 48 : index
        %get3A_161 = tpu.vector_load %arg8[%get3A_159, %get3A_160] {strides = array<i32>} : memref<72x64xf32, #tpu.memory_space<vmem>>, vector<1x16xf32>,
        %get3A_162 = vector.shape_cast %get3A_161 : vector<1x16xf32> to vector<16xf32>
        %add3A_163 = arith.addf %scan3A_144, %get3A_162 : vector<16xf32>
        %scan3A_164 = arith.constant 1 : i32
        %scan3A_165 = arith.addi %scan3A_140, %scan3A_164 : i32
        %get3A_166 = arith.index_cast %scan3A_165 : i32 to index
        %get3A_167 = arith.constant 0 : index
        %get3A_168 = tpu.vector_load %arg8[%get3A_166, %get3A_167] {strides = array<i32>} : memref<72x64xf32, #tpu.memory_space<vmem>>, vector<1x16xf32>,
        %get3A_169 = vector.shape_cast %get3A_168 : vector<1x16xf32> to vector<16xf32>
        %add3A_170 = arith.addf %add3A_148, %get3A_169 : vector<16xf32>
        %get3A_171 = arith.index_cast %scan3A_165 : i32 to index
        %get3A_172 = arith.constant 16 : index
        %get3A_173 = tpu.vector_load %arg8[%get3A_171, %get3A_172] {strides = array<i32>} : memref<72x64xf32, #tpu.memory_space<vmem>>, vector<1x16xf32>,
        %get3A_174 = vector.shape_cast %get3A_173 : vector<1x16xf32> to vector<16xf32>
        %add3A_175 = arith.addf %add3A_153, %get3A_174 : vector<16xf32>
        %get3A_176 = arith.index_cast %scan3A_165 : i32 to index
        %get3A_177 = arith.constant 32 : index
        %get3A_178 = tpu.vector_load %arg8[%get3A_176, %get3A_177] {strides = array<i32>} : memref<72x64xf32, #tpu.memory_space<vmem>>, vector<1x16xf32>,
        %get3A_179 = vector.shape_cast %get3A_178 : vector<1x16xf32> to vector<16xf32>
        %add3A_180 = arith.addf %add3A_158, %get3A_179 : vector<16xf32>
        %get3A_181 = arith.index_cast %scan3A_165 : i32 to index
        %get3A_182 = arith.constant 48 : index
        %get3A_183 = tpu.vector_load %arg8[%get3A_181, %get3A_182] {strides = array<i32>} : memref<72x64xf32, #tpu.memory_space<vmem>>, vector<1x16xf32>,
        %get3A_184 = vector.shape_cast %get3A_183 : vector<1x16xf32> to vector<16xf32>
        %add3A_185 = arith.addf %add3A_163, %get3A_184 : vector<16xf32>
        %scan3A_186 = arith.constant 2 : i32
        %scan3A_187 = arith.addi %scan3A_140, %scan3A_186 : i32
        %get3A_188 = arith.index_cast %scan3A_187 : i32 to index
        %get3A_189 = arith.constant 0 : index
        %get3A_190 = tpu.vector_load %arg8[%get3A_188, %get3A_189] {strides = array<i32>} : memref<72x64xf32, #tpu.memory_space<vmem>>, vector<1x16xf32>,
        %get3A_191 = vector.shape_cast %get3A_190 : vector<1x16xf32> to vector<16xf32>
        %add3A_192 = arith.addf %add3A_170, %get3A_191 : vector<16xf32>
        %get3A_193 = arith.index_cast %scan3A_187 : i32 to index
        %get3A_194 = arith.constant 16 : index
        %get3A_195 = tpu.vector_load %arg8[%get3A_193, %get3A_194] {strides = array<i32>} : memref<72x64xf32, #tpu.memory_space<vmem>>, vector<1x16xf32>,
        %get3A_196 = vector.shape_cast %get3A_195 : vector<1x16xf32> to vector<16xf32>
        %add3A_197 = arith.addf %add3A_175, %get3A_196 : vector<16xf32>
        %get3A_198 = arith.index_cast %scan3A_187 : i32 to index
        %get3A_199 = arith.constant 32 : index
        %get3A_200 = tpu.vector_load %arg8[%get3A_198, %get3A_199] {strides = array<i32>} : memref<72x64xf32, #tpu.memory_space<vmem>>, vector<1x16xf32>,
        %get3A_201 = vector.shape_cast %get3A_200 : vector<1x16xf32> to vector<16xf32>
        %add3A_202 = arith.addf %add3A_180, %get3A_201 : vector<16xf32>
        %get3A_203 = arith.index_cast %scan3A_187 : i32 to index
        %get3A_204 = arith.constant 48 : index
        %get3A_205 = tpu.vector_load %arg8[%get3A_203, %get3A_204] {strides = array<i32>} : memref<72x64xf32, #tpu.memory_space<vmem>>, vector<1x16xf32>,
        %get3A_206 = vector.shape_cast %get3A_205 : vector<1x16xf32> to vector<16xf32>
        %add3A_207 = arith.addf %add3A_185, %get3A_206 : vector<16xf32>
        %scan3A_208 = arith.constant 3 : i32
        %scan3A_209 = arith.addi %scan3A_140, %scan3A_208 : i32
        %get3A_210 = arith.index_cast %scan3A_209 : i32 to index
        %get3A_211 = arith.constant 0 : index
        %get3A_212 = tpu.vector_load %arg8[%get3A_210, %get3A_211] {strides = array<i32>} : memref<72x64xf32, #tpu.memory_space<vmem>>, vector<1x16xf32>,
        %get3A_213 = vector.shape_cast %get3A_212 : vector<1x16xf32> to vector<16xf32>
        %add3A_214 = arith.addf %add3A_192, %get3A_213 : vector<16xf32>
        %get3A_215 = arith.index_cast %scan3A_209 : i32 to index
        %get3A_216 = arith.constant 16 : index
        %get3A_217 = tpu.vector_load %arg8[%get3A_215, %get3A_216] {strides = array<i32>} : memref<72x64xf32, #tpu.memory_space<vmem>>, vector<1x16xf32>,
        %get3A_218 = vector.shape_cast %get3A_217 : vector<1x16xf32> to vector<16xf32>
        %add3A_219 = arith.addf %add3A_197, %get3A_218 : vector<16xf32>
        %get3A_220 = arith.index_cast %scan3A_209 : i32 to index
        %get3A_221 = arith.constant 32 : index
        %get3A_222 = tpu.vector_load %arg8[%get3A_220, %get3A_221] {strides = array<i32>} : memref<72x64xf32, #tpu.memory_space<vmem>>, vector<1x16xf32>,
        %get3A_223 = vector.shape_cast %get3A_222 : vector<1x16xf32> to vector<16xf32>
        %add3A_224 = arith.addf %add3A_202, %get3A_223 : vector<16xf32>
        %get3A_225 = arith.index_cast %scan3A_209 : i32 to index
        %get3A_226 = arith.constant 48 : index
        %get3A_227 = tpu.vector_load %arg8[%get3A_225, %get3A_226] {strides = array<i32>} : memref<72x64xf32, #tpu.memory_space<vmem>>, vector<1x16xf32>,
        %get3A_228 = vector.shape_cast %get3A_227 : vector<1x16xf32> to vector<16xf32>
        %add3A_229 = arith.addf %add3A_207, %get3A_228 : vector<16xf32>
        scf.yield %add3A_214, %add3A_219, %add3A_224, %add3A_229 : vector<16xf32>, vector<16xf32>, vector<16xf32>, vector<16xf32>
      }
      %scan3A_67 = arith.constant 72 : i32
      %swap3A = arith.index_cast %mul3A_26 : i32 to index
      %swap3A_68 = arith.constant 0 : index
      %swap3A_69 = tpu.vector_load %arg10[%swap3A, %swap3A_68] {strides = array<i32>} : memref<128x64xf32, #tpu.memory_space<vmem>>, vector<1x16xf32>,
      %swap3A_70 = vector.shape_cast %swap3A_69 : vector<1x16xf32> to vector<16xf32>
      %swap3A_71 = vector.shape_cast %scan3A_66#0 : vector<16xf32> to vector<1x16xf32>
      tpu.vector_store %arg10[%swap3A, %swap3A_68], %swap3A_71 {strides = array<i32>} : memref<128x64xf32, #tpu.memory_space<vmem>>, vector<1x16xf32>,
      %swap3A_72 = arith.index_cast %mul3A_26 : i32 to index
      %swap3A_73 = arith.constant 16 : index
      %swap3A_74 = tpu.vector_load %arg10[%swap3A_72, %swap3A_73] {strides = array<i32>} : memref<128x64xf32, #tpu.memory_space<vmem>>, vector<1x16xf32>,
      %swap3A_75 = vector.shape_cast %swap3A_74 : vector<1x16xf32> to vector<16xf32>
      %swap3A_76 = vector.shape_cast %scan3A_66#1 : vector<16xf32> to vector<1x16xf32>
      tpu.vector_store %arg10[%swap3A_72, %swap3A_73], %swap3A_76 {strides = array<i32>} : memref<128x64xf32, #tpu.memory_space<vmem>>, vector<1x16xf32>,
      %swap3A_77 = arith.index_cast %mul3A_26 : i32 to index
      %swap3A_78 = arith.constant 32 : index
      %swap3A_79 = tpu.vector_load %arg10[%swap3A_77, %swap3A_78] {strides = array<i32>} : memref<128x64xf32, #tpu.memory_space<vmem>>, vector<1x16xf32>,
      %swap3A_80 = vector.shape_cast %swap3A_79 : vector<1x16xf32> to vector<16xf32>
      %swap3A_81 = vector.shape_cast %scan3A_66#2 : vector<16xf32> to vector<1x16xf32>
      tpu.vector_store %arg10[%swap3A_77, %swap3A_78], %swap3A_81 {strides = array<i32>} : memref<128x64xf32, #tpu.memory_space<vmem>>, vector<1x16xf32>,
      %swap3A_82 = arith.index_cast %mul3A_26 : i32 to index
      %swap3A_83 = arith.constant 48 : index
      %swap3A_84 = tpu.vector_load %arg10[%swap3A_82, %swap3A_83] {strides = array<i32>} : memref<128x64xf32, #tpu.memory_space<vmem>>, vector<1x16xf32>,
      %swap3A_85 = vector.shape_cast %swap3A_84 : vector<1x16xf32> to vector<16xf32>
      %swap3A_86 = vector.shape_cast %scan3A_66#3 : vector<16xf32> to vector<1x16xf32>
      tpu.vector_store %arg10[%swap3A_82, %swap3A_83], %swap3A_86 {strides = array<i32>} : memref<128x64xf32, #tpu.memory_space<vmem>>, vector<1x16xf32>,
      %add3A_87 = arith.constant 1 : i32
      %add3A_88 = arith.addi %mul3A_26, %add3A_87 : i32
      %add3A_89 = arith.constant 2 : i32
      %add3A_90 = arith.addi %mul3A_26, %add3A_89 : i32
      %lt3A = arith.constant 128 : i32
      %lt3A_91 = arith.cmpi slt, %add3A_90, %lt3A : i32
      %convert_element_type3A = arith.extui %lt3A_91 : i1 to i32
      %cond3A = arith.constant 0 : i32
      %cond3A_92 = arith.cmpi ne, %convert_element_type3A, %cond3A : i32
      scf.if %cond3A_92 {
        %add3A_140 = arith.constant 1 : i32
        %add3A_141 = arith.addi %add3A_88, %add3A_140 : i32
        %dma_start3A_142 = arith.constant 0 : i32
        %dma_start3A_143 = tpu.memref_slice %arg5[%add3A_141, %dma_start3A_142] : memref<128x256xi32, #tpu.memory_space<vmem>> -> memref<1x128xi32, #tpu.memory_space<vmem>>
        %dma_start3A_144 = tpu.memref_squeeze %dma_start3A_143 : memref<1x128xi32, #tpu.memory_space<vmem>> -> memref<128xi32, #tpu.memory_space<vmem>>
        %dma_start3A_145 = arith.constant 0 : i32
        %dma_start3A_146 = arith.constant 0 : i32
        %dma_start3A_147 = tpu.memref_slice %arg3[%dma_start3A_145, %dma_start3A_146] : memref<1000000x64xf32, #tpu.memory_space<hbm>> -> memref<1000000x64xf32, #tpu.memory_space<hbm>>
        tpu.enqueue_indirect_dma source(%dma_start3A_147 : memref<1000000x64xf32, #tpu.memory_space<hbm>>) target(%arg6 : memref<128x64xf32, #tpu.memory_space<vmem>>) offsets(%dma_start3A_144 : memref<128xi32, #tpu.memory_space<vmem>>) semaphore(%arg11 : memref<!tpu.dma_semaphore, #tpu.memory_space<semaphore_mem>>)
        %add3A_148 = arith.constant 1 : i32
        %add3A_149 = arith.addi %add3A_88, %add3A_148 : i32
        %dma_start3A_150 = arith.constant 128 : i32
        %dma_start3A_151 = tpu.memref_slice %arg5[%add3A_149, %dma_start3A_150] : memref<128x256xi32, #tpu.memory_space<vmem>> -> memref<1x72xi32, #tpu.memory_space<vmem>>
        %dma_start3A_152 = tpu.memref_squeeze %dma_start3A_151 : memref<1x72xi32, #tpu.memory_space<vmem>> -> memref<72xi32, #tpu.memory_space<vmem>>
        %dma_start3A_153 = arith.constant 0 : i32
        %dma_start3A_154 = arith.constant 0 : i32
        %dma_start3A_155 = tpu.memref_slice %arg3[%dma_start3A_153, %dma_start3A_154] : memref<1000000x64xf32, #tpu.memory_space<hbm>> -> memref<1000000x64xf32, #tpu.memory_space<hbm>>
        tpu.enqueue_indirect_dma source(%dma_start3A_155 : memref<1000000x64xf32, #tpu.memory_space<hbm>>) target(%arg8 : memref<72x64xf32, #tpu.memory_space<vmem>>) offsets(%dma_start3A_152 : memref<72xi32, #tpu.memory_space<vmem>>) semaphore(%arg13 : memref<!tpu.dma_semaphore, #tpu.memory_space<semaphore_mem>>)
      } else {
      }
      %dma_wait3A_93 = arith.constant 0 : i32
      %dma_wait3A_94 = arith.constant 0 : i32
      %dma_wait3A_95 = tpu.memref_slice %arg5[%dma_wait3A_93, %dma_wait3A_94] : memref<128x256xi32, #tpu.memory_space<vmem>> -> memref<1x128xi32, #tpu.memory_space<vmem>>
      %dma_wait3A_96 = tpu.memref_squeeze %dma_wait3A_95 : memref<1x128xi32, #tpu.memory_space<vmem>> -> memref<128xi32, #tpu.memory_space<vmem>>
      %dma_wait3A_97 = arith.constant 0 : i32
      %dma_wait3A_98 = arith.constant 0 : i32
      %dma_wait3A_99 = tpu.memref_slice %arg3[%dma_wait3A_97, %dma_wait3A_98] : memref<1000000x64xf32, #tpu.memory_space<hbm>> -> memref<1000000x64xf32, #tpu.memory_space<hbm>>
      tpu.wait_indirect_dma semaphore(%arg12 : memref<!tpu.dma_semaphore, #tpu.memory_space<semaphore_mem>>) src(%dma_wait3A_99 : memref<1000000x64xf32, #tpu.memory_space<hbm>>) dst(%arg7 : memref<128x64xf32, #tpu.memory_space<vmem>>)
      %scan3A_100 = arith.constant 0 : i32
      %scan3A_101 = arith.constant 128 : i32
      %scan3A_102 = arith.addi %scan3A_100, %scan3A_101 : i32
      %scan3A_103 = arith.constant 4 : i32
      %scan3A_104:4 = scf.for %scan3A_140 = %scan3A_100 to %scan3A_102 step %scan3A_103 iter_args(%scan3A_141 = %broadcast_in_dim3A_3, %scan3A_142 = %broadcast_in_dim3A_3, %scan3A_143 = %broadcast_in_dim3A_3, %scan3A_144 = %broadcast_in_dim3A_3) -> (vector<16xf32>, vector<16xf32>, vector<16xf32>, vector<16xf32>)  : i32 {
        %get3A = arith.index_cast %scan3A_140 : i32 to index
        %get3A_145 = arith.constant 0 : index
        %get3A_146 = tpu.vector_load %arg7[%get3A, %get3A_145] {strides = array<i32>} : memref<128x64xf32, #tpu.memory_space<vmem>>, vector<1x16xf32>,
        %get3A_147 = vector.shape_cast %get3A_146 : vector<1x16xf32> to vector<16xf32>
        %add3A_148 = arith.addf %scan3A_141, %get3A_147 : vector<16xf32>
        %get3A_149 = arith.index_cast %scan3A_140 : i32 to index
        %get3A_150 = arith.constant 16 : index
        %get3A_151 = tpu.vector_load %arg7[%get3A_149, %get3A_150] {strides = array<i32>} : memref<128x64xf32, #tpu.memory_space<vmem>>, vector<1x16xf32>,
        %get3A_152 = vector.shape_cast %get3A_151 : vector<1x16xf32> to vector<16xf32>
        %add3A_153 = arith.addf %scan3A_142, %get3A_152 : vector<16xf32>
        %get3A_154 = arith.index_cast %scan3A_140 : i32 to index
        %get3A_155 = arith.constant 32 : index
        %get3A_156 = tpu.vector_load %arg7[%get3A_154, %get3A_155] {strides = array<i32>} : memref<128x64xf32, #tpu.memory_space<vmem>>, vector<1x16xf32>,
        %get3A_157 = vector.shape_cast %get3A_156 : vector<1x16xf32> to vector<16xf32>
        %add3A_158 = arith.addf %scan3A_143, %get3A_157 : vector<16xf32>
        %get3A_159 = arith.index_cast %scan3A_140 : i32 to index
        %get3A_160 = arith.constant 48 : index
        %get3A_161 = tpu.vector_load %arg7[%get3A_159, %get3A_160] {strides = array<i32>} : memref<128x64xf32, #tpu.memory_space<vmem>>, vector<1x16xf32>,
        %get3A_162 = vector.shape_cast %get3A_161 : vector<1x16xf32> to vector<16xf32>
        %add3A_163 = arith.addf %scan3A_144, %get3A_162 : vector<16xf32>
        %scan3A_164 = arith.constant 1 : i32
        %scan3A_165 = arith.addi %scan3A_140, %scan3A_164 : i32
        %get3A_166 = arith.index_cast %scan3A_165 : i32 to index
        %get3A_167 = arith.constant 0 : index
        %get3A_168 = tpu.vector_load %arg7[%get3A_166, %get3A_167] {strides = array<i32>} : memref<128x64xf32, #tpu.memory_space<vmem>>, vector<1x16xf32>,
        %get3A_169 = vector.shape_cast %get3A_168 : vector<1x16xf32> to vector<16xf32>
        %add3A_170 = arith.addf %add3A_148, %get3A_169 : vector<16xf32>
        %get3A_171 = arith.index_cast %scan3A_165 : i32 to index
        %get3A_172 = arith.constant 16 : index
        %get3A_173 = tpu.vector_load %arg7[%get3A_171, %get3A_172] {strides = array<i32>} : memref<128x64xf32, #tpu.memory_space<vmem>>, vector<1x16xf32>,
        %get3A_174 = vector.shape_cast %get3A_173 : vector<1x16xf32> to vector<16xf32>
        %add3A_175 = arith.addf %add3A_153, %get3A_174 : vector<16xf32>
        %get3A_176 = arith.index_cast %scan3A_165 : i32 to index
        %get3A_177 = arith.constant 32 : index
        %get3A_178 = tpu.vector_load %arg7[%get3A_176, %get3A_177] {strides = array<i32>} : memref<128x64xf32, #tpu.memory_space<vmem>>, vector<1x16xf32>,
        %get3A_179 = vector.shape_cast %get3A_178 : vector<1x16xf32> to vector<16xf32>
        %add3A_180 = arith.addf %add3A_158, %get3A_179 : vector<16xf32>
        %get3A_181 = arith.index_cast %scan3A_165 : i32 to index
        %get3A_182 = arith.constant 48 : index
        %get3A_183 = tpu.vector_load %arg7[%get3A_181, %get3A_182] {strides = array<i32>} : memref<128x64xf32, #tpu.memory_space<vmem>>, vector<1x16xf32>,
        %get3A_184 = vector.shape_cast %get3A_183 : vector<1x16xf32> to vector<16xf32>
        %add3A_185 = arith.addf %add3A_163, %get3A_184 : vector<16xf32>
        %scan3A_186 = arith.constant 2 : i32
        %scan3A_187 = arith.addi %scan3A_140, %scan3A_186 : i32
        %get3A_188 = arith.index_cast %scan3A_187 : i32 to index
        %get3A_189 = arith.constant 0 : index
        %get3A_190 = tpu.vector_load %arg7[%get3A_188, %get3A_189] {strides = array<i32>} : memref<128x64xf32, #tpu.memory_space<vmem>>, vector<1x16xf32>,
        %get3A_191 = vector.shape_cast %get3A_190 : vector<1x16xf32> to vector<16xf32>
        %add3A_192 = arith.addf %add3A_170, %get3A_191 : vector<16xf32>
        %get3A_193 = arith.index_cast %scan3A_187 : i32 to index
        %get3A_194 = arith.constant 16 : index
        %get3A_195 = tpu.vector_load %arg7[%get3A_193, %get3A_194] {strides = array<i32>} : memref<128x64xf32, #tpu.memory_space<vmem>>, vector<1x16xf32>,
        %get3A_196 = vector.shape_cast %get3A_195 : vector<1x16xf32> to vector<16xf32>
        %add3A_197 = arith.addf %add3A_175, %get3A_196 : vector<16xf32>
        %get3A_198 = arith.index_cast %scan3A_187 : i32 to index
        %get3A_199 = arith.constant 32 : index
        %get3A_200 = tpu.vector_load %arg7[%get3A_198, %get3A_199] {strides = array<i32>} : memref<128x64xf32, #tpu.memory_space<vmem>>, vector<1x16xf32>,
        %get3A_201 = vector.shape_cast %get3A_200 : vector<1x16xf32> to vector<16xf32>
        %add3A_202 = arith.addf %add3A_180, %get3A_201 : vector<16xf32>
        %get3A_203 = arith.index_cast %scan3A_187 : i32 to index
        %get3A_204 = arith.constant 48 : index
        %get3A_205 = tpu.vector_load %arg7[%get3A_203, %get3A_204] {strides = array<i32>} : memref<128x64xf32, #tpu.memory_space<vmem>>, vector<1x16xf32>,
        %get3A_206 = vector.shape_cast %get3A_205 : vector<1x16xf32> to vector<16xf32>
        %add3A_207 = arith.addf %add3A_185, %get3A_206 : vector<16xf32>
        %scan3A_208 = arith.constant 3 : i32
        %scan3A_209 = arith.addi %scan3A_140, %scan3A_208 : i32
        %get3A_210 = arith.index_cast %scan3A_209 : i32 to index
        %get3A_211 = arith.constant 0 : index
        %get3A_212 = tpu.vector_load %arg7[%get3A_210, %get3A_211] {strides = array<i32>} : memref<128x64xf32, #tpu.memory_space<vmem>>, vector<1x16xf32>,
        %get3A_213 = vector.shape_cast %get3A_212 : vector<1x16xf32> to vector<16xf32>
        %add3A_214 = arith.addf %add3A_192, %get3A_213 : vector<16xf32>
        %get3A_215 = arith.index_cast %scan3A_209 : i32 to index
        %get3A_216 = arith.constant 16 : index
        %get3A_217 = tpu.vector_load %arg7[%get3A_215, %get3A_216] {strides = array<i32>} : memref<128x64xf32, #tpu.memory_space<vmem>>, vector<1x16xf32>,
        %get3A_218 = vector.shape_cast %get3A_217 : vector<1x16xf32> to vector<16xf32>
        %add3A_219 = arith.addf %add3A_197, %get3A_218 : vector<16xf32>
        %get3A_220 = arith.index_cast %scan3A_209 : i32 to index
        %get3A_221 = arith.constant 32 : index
        %get3A_222 = tpu.vector_load %arg7[%get3A_220, %get3A_221] {strides = array<i32>} : memref<128x64xf32, #tpu.memory_space<vmem>>, vector<1x16xf32>,
        %get3A_223 = vector.shape_cast %get3A_222 : vector<1x16xf32> to vector<16xf32>
        %add3A_224 = arith.addf %add3A_202, %get3A_223 : vector<16xf32>
        %get3A_225 = arith.index_cast %scan3A_209 : i32 to index
        %get3A_226 = arith.constant 48 : index
        %get3A_227 = tpu.vector_load %arg7[%get3A_225, %get3A_226] {strides = array<i32>} : memref<128x64xf32, #tpu.memory_space<vmem>>, vector<1x16xf32>,
        %get3A_228 = vector.shape_cast %get3A_227 : vector<1x16xf32> to vector<16xf32>
        %add3A_229 = arith.addf %add3A_207, %get3A_228 : vector<16xf32>
        scf.yield %add3A_214, %add3A_219, %add3A_224, %add3A_229 : vector<16xf32>, vector<16xf32>, vector<16xf32>, vector<16xf32>
      }
      %scan3A_105 = arith.constant 128 : i32
      %dma_wait3A_106 = arith.constant 0 : i32
      %dma_wait3A_107 = arith.constant 0 : i32
      %dma_wait3A_108 = tpu.memref_slice %arg5[%dma_wait3A_106, %dma_wait3A_107] : memref<128x256xi32, #tpu.memory_space<vmem>> -> memref<1x72xi32, #tpu.memory_space<vmem>>
      %dma_wait3A_109 = tpu.memref_squeeze %dma_wait3A_108 : memref<1x72xi32, #tpu.memory_space<vmem>> -> memref<72xi32, #tpu.memory_space<vmem>>
      %dma_wait3A_110 = arith.constant 0 : i32
      %dma_wait3A_111 = arith.constant 0 : i32
      %dma_wait3A_112 = tpu.memref_slice %arg3[%dma_wait3A_110, %dma_wait3A_111] : memref<1000000x64xf32, #tpu.memory_space<hbm>> -> memref<1000000x64xf32, #tpu.memory_space<hbm>>
      tpu.wait_indirect_dma semaphore(%arg14 : memref<!tpu.dma_semaphore, #tpu.memory_space<semaphore_mem>>) src(%dma_wait3A_112 : memref<1000000x64xf32, #tpu.memory_space<hbm>>) dst(%arg9 : memref<72x64xf32, #tpu.memory_space<vmem>>)
      %scan3A_113 = arith.constant 0 : i32
      %scan3A_114 = arith.constant 72 : i32
      %scan3A_115 = arith.addi %scan3A_113, %scan3A_114 : i32
      %scan3A_116 = arith.constant 4 : i32
      %scan3A_117:4 = scf.for %scan3A_140 = %scan3A_113 to %scan3A_115 step %scan3A_116 iter_args(%scan3A_141 = %scan3A_104#0, %scan3A_142 = %scan3A_104#1, %scan3A_143 = %scan3A_104#2, %scan3A_144 = %scan3A_104#3) -> (vector<16xf32>, vector<16xf32>, vector<16xf32>, vector<16xf32>)  : i32 {
        %get3A = arith.index_cast %scan3A_140 : i32 to index
        %get3A_145 = arith.constant 0 : index
        %get3A_146 = tpu.vector_load %arg9[%get3A, %get3A_145] {strides = array<i32>} : memref<72x64xf32, #tpu.memory_space<vmem>>, vector<1x16xf32>,
        %get3A_147 = vector.shape_cast %get3A_146 : vector<1x16xf32> to vector<16xf32>
        %add3A_148 = arith.addf %scan3A_141, %get3A_147 : vector<16xf32>
        %get3A_149 = arith.index_cast %scan3A_140 : i32 to index
        %get3A_150 = arith.constant 16 : index
        %get3A_151 = tpu.vector_load %arg9[%get3A_149, %get3A_150] {strides = array<i32>} : memref<72x64xf32, #tpu.memory_space<vmem>>, vector<1x16xf32>,
        %get3A_152 = vector.shape_cast %get3A_151 : vector<1x16xf32> to vector<16xf32>
        %add3A_153 = arith.addf %scan3A_142, %get3A_152 : vector<16xf32>
        %get3A_154 = arith.index_cast %scan3A_140 : i32 to index
        %get3A_155 = arith.constant 32 : index
        %get3A_156 = tpu.vector_load %arg9[%get3A_154, %get3A_155] {strides = array<i32>} : memref<72x64xf32, #tpu.memory_space<vmem>>, vector<1x16xf32>,
        %get3A_157 = vector.shape_cast %get3A_156 : vector<1x16xf32> to vector<16xf32>
        %add3A_158 = arith.addf %scan3A_143, %get3A_157 : vector<16xf32>
        %get3A_159 = arith.index_cast %scan3A_140 : i32 to index
        %get3A_160 = arith.constant 48 : index
        %get3A_161 = tpu.vector_load %arg9[%get3A_159, %get3A_160] {strides = array<i32>} : memref<72x64xf32, #tpu.memory_space<vmem>>, vector<1x16xf32>,
        %get3A_162 = vector.shape_cast %get3A_161 : vector<1x16xf32> to vector<16xf32>
        %add3A_163 = arith.addf %scan3A_144, %get3A_162 : vector<16xf32>
        %scan3A_164 = arith.constant 1 : i32
        %scan3A_165 = arith.addi %scan3A_140, %scan3A_164 : i32
        %get3A_166 = arith.index_cast %scan3A_165 : i32 to index
        %get3A_167 = arith.constant 0 : index
        %get3A_168 = tpu.vector_load %arg9[%get3A_166, %get3A_167] {strides = array<i32>} : memref<72x64xf32, #tpu.memory_space<vmem>>, vector<1x16xf32>,
        %get3A_169 = vector.shape_cast %get3A_168 : vector<1x16xf32> to vector<16xf32>
        %add3A_170 = arith.addf %add3A_148, %get3A_169 : vector<16xf32>
        %get3A_171 = arith.index_cast %scan3A_165 : i32 to index
        %get3A_172 = arith.constant 16 : index
        %get3A_173 = tpu.vector_load %arg9[%get3A_171, %get3A_172] {strides = array<i32>} : memref<72x64xf32, #tpu.memory_space<vmem>>, vector<1x16xf32>,
        %get3A_174 = vector.shape_cast %get3A_173 : vector<1x16xf32> to vector<16xf32>
        %add3A_175 = arith.addf %add3A_153, %get3A_174 : vector<16xf32>
        %get3A_176 = arith.index_cast %scan3A_165 : i32 to index
        %get3A_177 = arith.constant 32 : index
        %get3A_178 = tpu.vector_load %arg9[%get3A_176, %get3A_177] {strides = array<i32>} : memref<72x64xf32, #tpu.memory_space<vmem>>, vector<1x16xf32>,
        %get3A_179 = vector.shape_cast %get3A_178 : vector<1x16xf32> to vector<16xf32>
        %add3A_180 = arith.addf %add3A_158, %get3A_179 : vector<16xf32>
        %get3A_181 = arith.index_cast %scan3A_165 : i32 to index
        %get3A_182 = arith.constant 48 : index
        %get3A_183 = tpu.vector_load %arg9[%get3A_181, %get3A_182] {strides = array<i32>} : memref<72x64xf32, #tpu.memory_space<vmem>>, vector<1x16xf32>,
        %get3A_184 = vector.shape_cast %get3A_183 : vector<1x16xf32> to vector<16xf32>
        %add3A_185 = arith.addf %add3A_163, %get3A_184 : vector<16xf32>
        %scan3A_186 = arith.constant 2 : i32
        %scan3A_187 = arith.addi %scan3A_140, %scan3A_186 : i32
        %get3A_188 = arith.index_cast %scan3A_187 : i32 to index
        %get3A_189 = arith.constant 0 : index
        %get3A_190 = tpu.vector_load %arg9[%get3A_188, %get3A_189] {strides = array<i32>} : memref<72x64xf32, #tpu.memory_space<vmem>>, vector<1x16xf32>,
        %get3A_191 = vector.shape_cast %get3A_190 : vector<1x16xf32> to vector<16xf32>
        %add3A_192 = arith.addf %add3A_170, %get3A_191 : vector<16xf32>
        %get3A_193 = arith.index_cast %scan3A_187 : i32 to index
        %get3A_194 = arith.constant 16 : index
        %get3A_195 = tpu.vector_load %arg9[%get3A_193, %get3A_194] {strides = array<i32>} : memref<72x64xf32, #tpu.memory_space<vmem>>, vector<1x16xf32>,
        %get3A_196 = vector.shape_cast %get3A_195 : vector<1x16xf32> to vector<16xf32>
        %add3A_197 = arith.addf %add3A_175, %get3A_196 : vector<16xf32>
        %get3A_198 = arith.index_cast %scan3A_187 : i32 to index
        %get3A_199 = arith.constant 32 : index
        %get3A_200 = tpu.vector_load %arg9[%get3A_198, %get3A_199] {strides = array<i32>} : memref<72x64xf32, #tpu.memory_space<vmem>>, vector<1x16xf32>,
        %get3A_201 = vector.shape_cast %get3A_200 : vector<1x16xf32> to vector<16xf32>
        %add3A_202 = arith.addf %add3A_180, %get3A_201 : vector<16xf32>
        %get3A_203 = arith.index_cast %scan3A_187 : i32 to index
        %get3A_204 = arith.constant 48 : index
        %get3A_205 = tpu.vector_load %arg9[%get3A_203, %get3A_204] {strides = array<i32>} : memref<72x64xf32, #tpu.memory_space<vmem>>, vector<1x16xf32>,
        %get3A_206 = vector.shape_cast %get3A_205 : vector<1x16xf32> to vector<16xf32>
        %add3A_207 = arith.addf %add3A_185, %get3A_206 : vector<16xf32>
        %scan3A_208 = arith.constant 3 : i32
        %scan3A_209 = arith.addi %scan3A_140, %scan3A_208 : i32
        %get3A_210 = arith.index_cast %scan3A_209 : i32 to index
        %get3A_211 = arith.constant 0 : index
        %get3A_212 = tpu.vector_load %arg9[%get3A_210, %get3A_211] {strides = array<i32>} : memref<72x64xf32, #tpu.memory_space<vmem>>, vector<1x16xf32>,
        %get3A_213 = vector.shape_cast %get3A_212 : vector<1x16xf32> to vector<16xf32>
        %add3A_214 = arith.addf %add3A_192, %get3A_213 : vector<16xf32>
        %get3A_215 = arith.index_cast %scan3A_209 : i32 to index
        %get3A_216 = arith.constant 16 : index
        %get3A_217 = tpu.vector_load %arg9[%get3A_215, %get3A_216] {strides = array<i32>} : memref<72x64xf32, #tpu.memory_space<vmem>>, vector<1x16xf32>,
        %get3A_218 = vector.shape_cast %get3A_217 : vector<1x16xf32> to vector<16xf32>
        %add3A_219 = arith.addf %add3A_197, %get3A_218 : vector<16xf32>
        %get3A_220 = arith.index_cast %scan3A_209 : i32 to index
        %get3A_221 = arith.constant 32 : index
        %get3A_222 = tpu.vector_load %arg9[%get3A_220, %get3A_221] {strides = array<i32>} : memref<72x64xf32, #tpu.memory_space<vmem>>, vector<1x16xf32>,
        %get3A_223 = vector.shape_cast %get3A_222 : vector<1x16xf32> to vector<16xf32>
        %add3A_224 = arith.addf %add3A_202, %get3A_223 : vector<16xf32>
        %get3A_225 = arith.index_cast %scan3A_209 : i32 to index
        %get3A_226 = arith.constant 48 : index
        %get3A_227 = tpu.vector_load %arg9[%get3A_225, %get3A_226] {strides = array<i32>} : memref<72x64xf32, #tpu.memory_space<vmem>>, vector<1x16xf32>,
        %get3A_228 = vector.shape_cast %get3A_227 : vector<1x16xf32> to vector<16xf32>
        %add3A_229 = arith.addf %add3A_207, %get3A_228 : vector<16xf32>
        scf.yield %add3A_214, %add3A_219, %add3A_224, %add3A_229 : vector<16xf32>, vector<16xf32>, vector<16xf32>, vector<16xf32>
      }
      %scan3A_118 = arith.constant 72 : i32
      %swap3A_119 = arith.index_cast %add3A_88 : i32 to index
      %swap3A_120 = arith.constant 0 : index
      %swap3A_121 = tpu.vector_load %arg10[%swap3A_119, %swap3A_120] {strides = array<i32>} : memref<128x64xf32, #tpu.memory_space<vmem>>, vector<1x16xf32>,
      %swap3A_122 = vector.shape_cast %swap3A_121 : vector<1x16xf32> to vector<16xf32>
      %swap3A_123 = vector.shape_cast %scan3A_117#0 : vector<16xf32> to vector<1x16xf32>
      tpu.vector_store %arg10[%swap3A_119, %swap3A_120], %swap3A_123 {strides = array<i32>} : memref<128x64xf32, #tpu.memory_space<vmem>>, vector<1x16xf32>,
      %swap3A_124 = arith.index_cast %add3A_88 : i32 to index
      %swap3A_125 = arith.constant 16 : index
      %swap3A_126 = tpu.vector_load %arg10[%swap3A_124, %swap3A_125] {strides = array<i32>} : memref<128x64xf32, #tpu.memory_space<vmem>>, vector<1x16xf32>,
      %swap3A_127 = vector.shape_cast %swap3A_126 : vector<1x16xf32> to vector<16xf32>
      %swap3A_128 = vector.shape_cast %scan3A_117#1 : vector<16xf32> to vector<1x16xf32>
      tpu.vector_store %arg10[%swap3A_124, %swap3A_125], %swap3A_128 {strides = array<i32>} : memref<128x64xf32, #tpu.memory_space<vmem>>, vector<1x16xf32>,
      %swap3A_129 = arith.index_cast %add3A_88 : i32 to index
      %swap3A_130 = arith.constant 32 : index
      %swap3A_131 = tpu.vector_load %arg10[%swap3A_129, %swap3A_130] {strides = array<i32>} : memref<128x64xf32, #tpu.memory_space<vmem>>, vector<1x16xf32>,
      %swap3A_132 = vector.shape_cast %swap3A_131 : vector<1x16xf32> to vector<16xf32>
      %swap3A_133 = vector.shape_cast %scan3A_117#2 : vector<16xf32> to vector<1x16xf32>
      tpu.vector_store %arg10[%swap3A_129, %swap3A_130], %swap3A_133 {strides = array<i32>} : memref<128x64xf32, #tpu.memory_space<vmem>>, vector<1x16xf32>,
      %swap3A_134 = arith.index_cast %add3A_88 : i32 to index
      %swap3A_135 = arith.constant 48 : index
      %swap3A_136 = tpu.vector_load %arg10[%swap3A_134, %swap3A_135] {strides = array<i32>} : memref<128x64xf32, #tpu.memory_space<vmem>>, vector<1x16xf32>,
      %swap3A_137 = vector.shape_cast %swap3A_136 : vector<1x16xf32> to vector<16xf32>
      %swap3A_138 = vector.shape_cast %scan3A_117#3 : vector<16xf32> to vector<1x16xf32>
      tpu.vector_store %arg10[%swap3A_134, %swap3A_135], %swap3A_138 {strides = array<i32>} : memref<128x64xf32, #tpu.memory_space<vmem>>, vector<1x16xf32>,
      %scan3A_139 = arith.constant 0 : i32
      scf.yield %scan3A_139 : i32
    }
    %scan3A_22 = arith.constant 64 : i32
    "tpu.region"() ({
      %run_scoped3A = tpu.sem_alloc : memref<!tpu.dma_semaphore, #tpu.memory_space<semaphore_mem>>
      %dma_start3A_23 = arith.constant 0 : i32
      %dma_start3A_24 = tpu.memref_slice %arg4[%mul3A_2, %dma_start3A_23] : memref<4096x64xf32, #tpu.memory_space<hbm>> -> memref<128x64xf32, #tpu.memory_space<hbm>>
      %dma_start3A_25 = arith.constant 0 : i32
      %dma_start3A_26 = tpu.memref_slice %arg4[%mul3A_2, %dma_start3A_25] : memref<4096x64xf32, #tpu.memory_space<hbm>> -> memref<128x64xf32, #tpu.memory_space<hbm>>
      tpu.enqueue_dma source(%arg10 : memref<128x64xf32, #tpu.memory_space<vmem>>) target(%dma_start3A_26 : memref<128x64xf32, #tpu.memory_space<hbm>>) target_semaphore(%run_scoped3A : memref<!tpu.dma_semaphore, #tpu.memory_space<semaphore_mem>>)
      %dma_wait3A = arith.constant 0 : i32
      %dma_wait3A_27 = tpu.memref_slice %arg4[%mul3A_2, %dma_wait3A] : memref<4096x64xf32, #tpu.memory_space<hbm>> -> memref<128x64xf32, #tpu.memory_space<hbm>>
      %dma_wait3A_28 = arith.constant 0 : i32
      %dma_wait3A_29 = tpu.memref_slice %arg4[%mul3A_2, %dma_wait3A_28] : memref<4096x64xf32, #tpu.memory_space<hbm>> -> memref<128x64xf32, #tpu.memory_space<hbm>>
      tpu.wait_dma2 semaphore(%run_scoped3A : memref<!tpu.dma_semaphore, #tpu.memory_space<semaphore_mem>>) src(%arg10 : memref<128x64xf32, #tpu.memory_space<vmem>>) dst(%dma_wait3A_29 : memref<128x64xf32, #tpu.memory_space<hbm>>)
      tpu.yield
    }) : () -> ()
    return
  }
}

module attributes {stable_mosaic.version = 14 : i64} {
  func.func @_mlp_body(%arg0: i32, %arg1: memref<512x64xf32, #tpu.memory_space<vmem>>, %arg2: memref<64x512xf32, #tpu.memory_space<vmem>>, %arg3: memref<1x512xf32, #tpu.memory_space<vmem>>, %arg4: memref<512x128xf32, #tpu.memory_space<vmem>>, %arg5: memref<1x128xf32, #tpu.memory_space<vmem>>, %arg6: memref<512x128xf32, #tpu.memory_space<vmem>>) attributes {dimension_semantics = [#tpu.dimension_semantics<arbitrary>], iteration_bounds = array<i64: 8>, scalar_prefetch = 0 : i64, scratch_operands = 0 : i64, tpu.core_type = #tpu.core_type<tc>, window_params = [{transform_indices = @transform_0, window_bounds = array<i64: 512, 64>}, {pipeline_mode = #tpu.pipeline_mode<synchronous>, transform_indices = @transform_1, window_bounds = array<i64: 64, 512>}, {pipeline_mode = #tpu.pipeline_mode<synchronous>, transform_indices = @transform_2, window_bounds = array<i64: 1, 512>}, {pipeline_mode = #tpu.pipeline_mode<synchronous>, transform_indices = @transform_3, window_bounds = array<i64: 512, 128>}, {pipeline_mode = #tpu.pipeline_mode<synchronous>, transform_indices = @transform_4, window_bounds = array<i64: 1, 128>}, {transform_indices = @transform_5, window_bounds = array<i64: 512, 128>}]} {
    %get3A = arith.constant 0 : index
    %get3A_0 = arith.constant 0 : index
    %get3A_1 = vector.load %arg1[%get3A, %get3A_0] : memref<512x64xf32, #tpu.memory_space<vmem>>, vector<512x64xf32>
    %mul3A = arith.constant 5.000000e-03 : f32
    %mul3A_2 = vector.broadcast %mul3A : f32 to vector<512x64xf32>
    %mul3A_3 = arith.mulf %get3A_1, %mul3A_2 : vector<512x64xf32>
    %get3A_4 = arith.constant 0 : index
    %get3A_5 = arith.constant 0 : index
    %get3A_6 = vector.load %arg2[%get3A_4, %get3A_5] : memref<64x512xf32, #tpu.memory_space<vmem>>, vector<64x512xf32>
    %dot_general3A = arith.constant dense<0.000000e+00> : vector<512x512xf32>
    %dot_general3A_7 = tpu.matmul %mul3A_3, %get3A_6, %dot_general3A {dimension_numbers = #tpu.dot_dimension_numbers<[1], [0], [0], [1], [0, 0, 1, 1], [], []>, transpose_lhs_hint = false} : vector<512x64xf32>, vector<64x512xf32>, vector<512x512xf32> -> vector<512x512xf32>
    %get3A_8 = arith.constant 0 : index
    %get3A_9 = arith.constant 0 : index
    %get3A_10 = vector.load %arg3[%get3A_8, %get3A_9] : memref<1x512xf32, #tpu.memory_space<vmem>>, vector<1x512xf32>
    %add3A = vector.broadcast %get3A_10 : vector<1x512xf32> to vector<512x512xf32>
    %add3A_11 = arith.addf %dot_general3A_7, %add3A : vector<512x512xf32>
    %max3A = arith.constant 0.000000e+00 : f32
    %max3A_12 = vector.broadcast %max3A : f32 to vector<512x512xf32>
    %max3A_13 = arith.maximumf %add3A_11, %max3A_12 : vector<512x512xf32>
    %get3A_14 = arith.constant 0 : index
    %get3A_15 = arith.constant 0 : index
    %get3A_16 = vector.load %arg4[%get3A_14, %get3A_15] : memref<512x128xf32, #tpu.memory_space<vmem>>, vector<512x128xf32>
    %dot_general3A_17 = arith.constant dense<0.000000e+00> : vector<512x128xf32>
    %dot_general3A_18 = tpu.matmul %max3A_13, %get3A_16, %dot_general3A_17 {dimension_numbers = #tpu.dot_dimension_numbers<[1], [0], [0], [1], [0, 0, 1, 1], [], []>, transpose_lhs_hint = false} : vector<512x512xf32>, vector<512x128xf32>, vector<512x128xf32> -> vector<512x128xf32>
    %get3A_19 = arith.constant 0 : index
    %get3A_20 = arith.constant 0 : index
    %get3A_21 = vector.load %arg5[%get3A_19, %get3A_20] : memref<1x128xf32, #tpu.memory_space<vmem>>, vector<1x128xf32>
    %add3A_22 = vector.broadcast %get3A_21 : vector<1x128xf32> to vector<512x128xf32>
    %add3A_23 = arith.addf %dot_general3A_18, %add3A_22 : vector<512x128xf32>
    %swap3A = arith.constant 0 : index
    %swap3A_24 = arith.constant 0 : index
    %swap3A_25 = vector.load %arg6[%swap3A, %swap3A_24] : memref<512x128xf32, #tpu.memory_space<vmem>>, vector<512x128xf32>
    tpu.vector_store %arg6[%swap3A, %swap3A_24], %add3A_23 {strides = array<i32>} : memref<512x128xf32, #tpu.memory_space<vmem>>, vector<512x128xf32>,
    return
  }
  func.func @transform_0(%arg0: i32) -> (i32, i32) {
    %c0_i32 = arith.constant 0 : i32
    %c0_i32_0 = arith.constant 0 : i32
    return %arg0, %c0_i32 : i32, i32
  }
  func.func @transform_1(%arg0: i32) -> (i32, i32) {
    %c0_i32 = arith.constant 0 : i32
    %c0_i32_0 = arith.constant 0 : i32
    %c0_i32_1 = arith.constant 0 : i32
    return %c0_i32, %c0_i32_0 : i32, i32
  }
  func.func @transform_2(%arg0: i32) -> (i32, i32) {
    %c0_i32 = arith.constant 0 : i32
    %c0_i32_0 = arith.constant 0 : i32
    %c0_i32_1 = arith.constant 0 : i32
    return %c0_i32, %c0_i32_0 : i32, i32
  }
  func.func @transform_3(%arg0: i32) -> (i32, i32) {
    %c0_i32 = arith.constant 0 : i32
    %c0_i32_0 = arith.constant 0 : i32
    %c0_i32_1 = arith.constant 0 : i32
    return %c0_i32, %c0_i32_0 : i32, i32
  }
  func.func @transform_4(%arg0: i32) -> (i32, i32) {
    %c0_i32 = arith.constant 0 : i32
    %c0_i32_0 = arith.constant 0 : i32
    %c0_i32_1 = arith.constant 0 : i32
    return %c0_i32, %c0_i32_0 : i32, i32
  }
  func.func @transform_5(%arg0: i32) -> (i32, i32) {
    %c0_i32 = arith.constant 0 : i32
    %c0_i32_0 = arith.constant 0 : i32
    return %arg0, %c0_i32 : i32, i32
  }
}

</mosaic_0001>

<sc_bundles>
// kernel: kernel.4.cloned.1.call-start
scs
__scs_entry_jumppad:
0x0: {  	(pc) =	sbr.rel $0x88, $3  }
0x1: {  	(tag) =	ssettag $0x0;
	lr =	simm.s32 $0x1  }
0x2: {  	[smem:$0x3F9B] =	sst lr;
	_ =	strace $0xD0000000  }
0x3: {  	_ = 	snop  }
0x4: {  	_ = 	snop  }
0x5: {  	_ = 	snop  }
0x6: {  	_ = 	snop  }
0x7: {  	_ = 	snop  }
__scs_overlays_trampoline_lowered:
0x8: {  	[smem:$0x3FAA] =	sst s0  }
0x9: {  	[smem:$0x3FAB] =	sst s1  }
0xa: {  	[smem:$0x3FAC] =	sst s2  }
0xb: {  	[smem:$0x3FAD] =	sst s3  }
0xc: {  	[smem:$0x3FAE] =	sst s4  }
0xd: {  	[smem:$0x3FAF] =	sst s5  }
0xe: {  	[smem:$0x3FB0] =	sst s6  }
0xf: {  	[smem:$0x3FB1] =	sst s7  }
0x10: {  	[smem:$0x3FB2] =	sst s8  }
0x11: {  	[smem:$0x3FB3] =	sst s9;
	s0 =	simm.s32 @!p0 $0x0  }
0x12: {  	s1 =	sld [smem:$0x3F99];
	s0 =	simm.s32 @p0 $0x1  }
0x13: {  	[smem:$0x3FB4] =	sst s0;
	s0 =	simm.s32 @!p1 $0x0  }
0x14: {  	s2 =	sld [smem:$0x3F98];
	s0 =	simm.s32 @p1 $0x1  }
0x15: {  	[smem:$0x3FB5] =	sst s0;
	s0 =	simm.s32 @!p2 $0x0  }
0x16: {  	s3 =	sld [smem:$0x3FDB];
	s0 =	simm.s32 @p2 $0x1  }
0x17: {  	s4 =	simm.s32 $0x1BF5;
	[smem:$0x3FB7] =	sst s0  }
0x18: {  	s0 =	sld [smem:$0x3F9A];
	_ =	swait.ge [sflag:s4], $0x0  }
0x19: {  	s7 =	sld [smem:$0x3F9B]  }
0x1a: {  	s8 =	sadd.s32 $0xFFFFE003, lr  }
0x1b: {  	s9 =	sadd.s32 $0xFFFFFEF7, lr;
	s5 =	simm.s32 $0xFFFFFFFF;
	p2 =	slt.u32 s8, $0xFFFFF086  }
0x1c: {  	p1 =	slt.u32 s9, $0xF7A;
	s5 =	simm.s32 @!p2 $0x0  }
0x1d: {  	s5 =	simm.s32 @p1 $0x1;
	p0 =	seq.s32 s7, s2  }
0x1e: {  	s7 =	smul.u32 @!p0 $0xF7A, s2;
	p2 =	seq.s32 @!p0 s5, $0x0  }
0x1f: {  	s9 =	smul.u32 $0xF7A, s1;
	s8 =	simm.s32 @!p0 $0x1BF5;
	p2 =	por !p2, p0  }
0x20: {  	[sflag:s8] =	ssyncset.s32 @!p0 $0xFFFFF086;
	s6 =	sadd.s32 @!p0 s3, s7;
	s7 =	simm.s32 @!p0 $0x108  }
0x21: {  	s3 =	sadd.s32 s3, s9;
	s6 =	sadd.s32 @!p0 $0x88, s6;
	s7 =	simm.s32 @p2 $0x1082  }
0x22: {  	[simem:s7], [sflag:s8] =	dma.local @!p0 [hbm:s6], $0xF7A  }
0x23: {  	s9 =	sor.u32 $0xD0000000, s2;
	s6 =	simm.s32 $0x108;
	_ =	swait.ge @!p0 [sflag:s8], $0x0  }
0x24: {  	s3 =	sadd.s32 $0x88, s3;
	s6 =	simm.s32 @!p1 $0x1082;
	[sflag:s4] =	ssyncset.s32 $0xFFFFF086  }
0x25: {  	[simem:s6], [sflag:s4] =	dma.local [hbm:s3], $0xF7A  }
0x26: {  	[smem:$0x3F9B] =	sst s1;
	(tag) =	ssettag s2;
	_ =	strace s9  }
0x27: {  	s1 =	sld [smem:$0x3FAB]  }
0x28: {  	s2 =	sld [smem:$0x3FAC]  }
0x29: {  	s4 =	sld [smem:$0x3FAE]  }
0x2a: {  	p0 =	seq.s32 s5, $0x0;
	s5 =	sld [smem:$0x3FAF]  }
0x2b: {  	s6 =	sld [smem:$0x3FB0]  }
0x2c: {  	s7 =	sld [smem:$0x3FB1]  }
0x2d: {  	s3 =	simm.s32 $0x108;
	s8 =	sld [smem:$0x3FB2]  }
0x2e: {  	s3 =	simm.s32 @!p0 $0x1082;
	s9 =	sld [smem:$0x3FB3]  }
0x2f: {  	lr =	sadd.s32 s0, s3;
	s0 =	sld [smem:$0x3FAA]  }
0x30: {  	s3 =	sld [smem:$0x3FAD]  }
0x31: {  	[smem:$0x3FB6] =	sst s10  }
0x32: {  	s10 =	sld [smem:$0x3FB4];
	_ =	sdelay $0x3  }
0x33: {  	p0 =	seq.s32 s10, $0x1;
	s10 =	sld [smem:$0x3FB6];
	_ =	sdelay $0x3  }
0x34: {  	[smem:$0x3FB6] =	sst s10  }
0x35: {  	s10 =	sld [smem:$0x3FB5];
	_ =	sdelay $0x3  }
0x36: {  	p1 =	seq.s32 s10, $0x1;
	s10 =	sld [smem:$0x3FB6];
	_ =	sdelay $0x3  }
0x37: {  	[smem:$0x3FB6] =	sst s10  }
0x38: {  	s10 =	sld [smem:$0x3FB7]  }
0x39: {  	_ = 	snop;
	(pc) =	sbr.ind lr, $3  }
0x3a: {  	_ = 	snop  }
0x3b: {  	_ = 	snop  }
0x3c: {  	p2 =	seq.s32 s10, $0x1;
	s10 =	sld [smem:$0x3FB6]  }
0x3d: {  	_ =	shalt  }
0x3e: {  	_ =	shalt  }
0x3f: {  	_ =	shalt  }
0x40: {  	_ =	shalt  }
0x41: {  	_ =	shalt  }
0x42: {  	_ =	shalt  }
0x43: {  	_ =	shalt  }
0x44: {  	_ =	shalt  }
0x45: {  	_ =	shalt  }
0x46: {  	_ =	shalt  }
0x47: {  	_ =	shalt  }
0x48: {  	_ =	shalt  }
0x49: {  	_ =	shalt  }
0x4a: {  	_ =	shalt  }
0x4b: {  	_ =	shalt  }
0x4c: {  	_ =	shalt  }
0x4d: {  	_ =	shalt  }
0x4e: {  	_ =	shalt  }
0x4f: {  	_ =	shalt  }
0x50: {  	_ =	shalt  }
0x51: {  	_ =	shalt  }
0x52: {  	_ =	shalt  }
0x53: {  	_ =	shalt  }
0x54: {  	_ =	shalt  }
0x55: {  	_ =	shalt  }
0x56: {  	_ =	shalt  }
0x57: {  	_ =	shalt  }
0x58: {  	_ =	shalt  }
0x59: {  	_ =	shalt  }
0x5a: {  	_ =	shalt  }
0x5b: {  	_ =	shalt  }
0x5c: {  	_ =	shalt  }
0x5d: {  	_ =	shalt  }
0x5e: {  	_ =	shalt  }
0x5f: {  	_ =	shalt  }
0x60: {  	_ =	shalt  }
0x61: {  	_ =	shalt  }
0x62: {  	_ =	shalt  }
0x63: {  	_ =	shalt  }
0x64: {  	_ =	shalt  }
0x65: {  	_ =	shalt  }
0x66: {  	_ =	shalt  }
0x67: {  	_ =	shalt  }
0x68: {  	_ =	shalt  }
0x69: {  	_ =	shalt  }
0x6a: {  	_ =	shalt  }
0x6b: {  	_ =	shalt  }
0x6c: {  	_ =	shalt  }
0x6d: {  	_ =	shalt  }
0x6e: {  	_ =	shalt  }
0x6f: {  	_ =	shalt  }
0x70: {  	_ =	shalt  }
0x71: {  	_ =	shalt  }
0x72: {  	_ =	shalt  }
0x73: {  	_ =	shalt  }
0x74: {  	_ =	shalt  }
0x75: {  	_ =	shalt  }
0x76: {  	_ =	shalt  }
0x77: {  	_ =	shalt  }
0x78: {  	_ =	shalt  }
0x79: {  	_ =	shalt  }
0x7a: {  	_ =	shalt  }
0x7b: {  	_ =	shalt  }
0x7c: {  	_ =	shalt  }
0x7d: {  	_ =	shalt  }
0x7e: {  	_ =	shalt  }
0x7f: {  	_ =	shalt  }
0x80: {  	_ =	shalt  }
0x81: {  	_ =	shalt  }
0x82: {  	_ =	shalt  }
0x83: {  	_ =	shalt  }
0x84: {  	_ =	shalt  }
0x85: {  	_ =	shalt  }
0x86: {  	_ =	shalt  }
0x87: {  	_ =	shalt  }
.Lfunc_end0:
.L_simem_size_0:
called_computation_lowered:
.L_overlay_start_0:
0x88: {  	s2 =	sld [smem:$0x3FD9]  }
0x89: {  	s3 =	sld [smem:$0x3FFE];
	_ =	sdelay $0x1  }
0x8a: {  	s1 =	srdreg.scid  }
0x8b: {  	s0 =	sand.u32 $0x1, s1  }
0x8c: {  	s17 =	sshll.u32 s0, $0xA;
	s2 =	sadd.s32 s3, s2  }
0x8d: {  	s2 =	sadd.s32 s2, s17  }
0x8e: {  	[smem:$0x3FC2] =	sst s2  }
0x8f: {  	_ = 	snop  }
0x90: {  	s2 =	sld [smem:$0x3FD0];
	(tm) =	ssettm $0x1  }
0x91: {  	s18 =	sld [smem:$0x3FFB];
	_ =	sdelay $0x3  }
0x92: {  	_ =	strace s18  }
0x93: {  	s3 =	sld [smem:$0x3FFC];
	_ =	sdelay $0x3  }
0x94: {  	_ =	strace s3  }
0x95: {  	s3 =	sld [smem:$0x3FFD];
	_ =	sdelay $0x3  }
0x96: {  	_ =	strace s3  }
0x97: {  	_ =	strace $0x8FFFFFFF  }
0x98: {  	s19 =	sld [smem:$0x3FDB];
	_ =	sdelay $0x1  }
0x99: {  	s4 =	simm.s32 $_scs_section_size  }
0x9a: {  	s5 =	simm.s32 $_size__tile_overlayer_lowered;
	s6 =	simm.s32 $_tile_overlayer_lowered  }
0x9b: {  	s22 =	simm.s32 $0x1BFF;
	s21 =	sshll.u32 s6, $0x1;
	s3 =	sadd.s32 s4, s19  }
0x9c: {  	s7 =	simm.s32 $0x0;
	s20 =	sshll.u32 s5, $0x1;
	s5 =	sadd.s32 s21, s3  }
0x9d: {  	[timem:s7], [sflag:s22] =	dma.local [hbm:s5], s20  }
0x9e: {  	_ =	swait.ge [sflag:s22], s20  }
0x9f: {  	s4 =	ssub.s32 $0x0, s20;
	[sflag:s22] =	ssyncset.done $0x0  }
0xa0: {  	[sflag:s22] =	ssyncadd.s32 s4;
	_ =	sdelay $0x1  }
0xa1: {  	s23 =	simm.s32 $0x1B8B  }
0xa2: {  	_ =	swait.ge [sflag:s23], $0x1  }
0xa3: {  	[sflag:s23] =	ssyncset.done $0x0  }
0xa4: {  	s25 =	simm.s32 $0x1B8E;
	s24 =	sld [smem:$0x3FFE];
	[sflag:s23] =	ssyncadd.s32 $0xFFFFFFFF  }
0xa5: {  	s26 =	simm.s32 $execute0_lowered;
	[smem:$0x3FD2] =	sst s25  }
0xa6: {  	s5 =	sshll.u32 s26, $0x1;
	_ =	strace $0x80000046;
	[dreg:$0x1] =	wrdreg $0xFFFFFFFF  }
0xa7: {  	s28 =	simm.s32 $_size_execute0_lowered;
	s3 =	sadd.s32 s3, s5;
	[dreg:$0x0] =	wrdreg $0x0  }
0xa8: {  	s5 =	sshll.u32 s28, $0x1;
	[dreg:$0x2] =	wrdreg s3  }
0xa9: {  	[dreg:$0x3] =	wrdreg s5  }
0xaa: {  	[dreg:$0x4] =	wrdreg $0xC0  }
0xab: {  	_ =	task [dreg:s7], $0x5FFFF  }
0xac: {  	[dreg:$0x1] =	wrdreg $0xFFFFFFFF  }
0xad: {  	[dreg:$0x0] =	wrdreg $0x60  }
0xae: {  	[dreg:$0x2] =	wrdreg s24  }
0xaf: {  	[dreg:$0x3] =	wrdreg s2  }
0xb0: {  	[dreg:$0x4] =	wrdreg $0x9  }
0xb1: {  	_ =	task.clear_ibuf [dreg:s7], $0x5FFFF;
	_ =	strace $0x90000046  }
0xb2: {  	s29 =	simm.s32 $0x9;
	_ =	strace $0x80000048  }
0xb3: {  	_ =	swait.ge [sflag:s29], $0x1  }
0xb4: {  	[sflag:s29] =	ssyncadd.s32 $0xFFFFFFFF  }
0xb5: {  	_ =	strace $0x90000048  }
0xb6: {  	_ =	sfence  }
0xb7: {  	s30 =	sld [smem:$0x0];
	_ =	sdelay $0x2  }
0xb8: {  	s31 =	sshll.u32 s1, $0xD;
	s1 =	sshrl.u32 s1, $0x2  }
0xb9: {  	s3 =	sand.u32 $0x4000, s31;
	s1 =	sadd.s32 s1, s30  }
0xba: {  	s0 =	sor.u32 s3, s0;
	s1 =	sshll.u32 s1, $0x11  }
0xbb: {  	s0 =	sor.u32 s1, s0  }
0xbc: {  	s0 =	sadd.s32 $0x8F2B, s0  }
0xbd: {  	[sflag:s0] =	ssyncadd.remote.s32 $0x1  }
0xbe: {  	_ =	sfence.sel $0xFFFF  }
0xbf: {  	[dreg:$0x0] =	wrdreg $0xFFFFFFFF;
	(pc) =	sbr.abs _section_cstart, $3  }
0xc0: {  	[dreg:$0x1] =	wrdreg $0xFFFFFFFF  }
0xc1: {  	_ =	task.clear_ibuf [dreg:s7], $0x2FFFF;
	_ =	strace $0x9FFFFFFF  }
0xc2: {  	(tm) =	ssettm $0x7FFFFFFF  }
0xc3: {  	_ =	shalt  }
tec
execute0_lowered:
.L_overlay_start_1:
0x0: {  	(tag) =	ssettag $0x1  }
0x1: {  	s3 =	rddreg [dreg:$0x0]  }
0x2: {  	s5 =	rddreg [dreg:$0x1];
	s2 =	srdreg.scid  }
0x3: {  	s0 =	rddreg [dreg:$0x2];
	s1 =	stileid.u32  }
0x4: {  	s9 =	simm.s32 $0x8000;
	s10 =	simm.s32 $0x48;
	s11 =	simm.s32 $0xC000  }
0x5: {  	s12 =	simm.s32 $0xA000;
	s13 =	simm.s32 $0xD200;
	s14 =	simm.s32 $0x1  }
0x6: {  	s15 =	simm.s32 $0x3;
	s16 =	simm.s32 $0x2;
	s17 =	simm.s32 $0x4  }
0x7: {  	s18 =	simm.s32 $0xE400;
	s19 =	simm.s32 $0x0;
	s4 =	sand.u32 $0x1, s2  }
0x8: {  	s2 =	simm.s32 $0x0;
	s6 =	sshll.u32 s1, $0x8;
	s7 =	sshll.u32 s4, $0x7  }
0x9: {  	[smem:$0x7FF] =	sst s2;
	s4 =	ssub.s32 $0x2, s4;
	s6 =	sor.u32 s7, s6  }
0xa: {  	_ =	strace $0x80000047;
	s8 =	sshrl.u32 s4, $0x1;
	s7 =	sshll.u32 s6, $0x5  }
0xb: {  	s8 =	ssub.s32 s4, s8;
	s6 =	sshll.u32 s6, $0x3;
	s7 =	sadd.s32 s7, s3  }
0xc: {  	s3 =	sadd.s32 $0xF43200, s3;
	s5 =	sadd.s32 s5, s6;
	s6 =	smax.u32 s8, $0x1  }
0xd: {  	s8 =	simm.s32 $0x80;
	s4 =	sadd.s32 $0xE00, s7;
	s7 =	simm.s32 $0x5  }
.LBB2_1:
0xe: {  	[tilespmem:s2], [sflag:$0x5] =	stream.linear.gather [hbm4b:s4+s2], $0x8000, $0x38;
	[tilespmem:$0x10400] =	vst v63  }
0xf: {  	_ =	swait.ge [sflag:s7], $0x8000  }
0x10: {  	[sflag:s7] =	ssyncset.done $0x0  }
0x11: {  	[sflag:s7] =	ssyncadd.s32 $0xFFFF8000  }
0x12: {  	[tilespmem:s9], [sflag:$0x1] =	stream.indirect.gather [hbm4b:s3+s8], $0x40, s2, s8, $0xb8;
	[tilespmem:$0x10400] =	vst v63  }
0x13: {  	s20 =	simm.s32 $0x0  }
0x14: {  	[tilespmem:s11], [sflag:$0x3] =	stream.indirect.gather [hbm4b:s3+s10], $0x40, s8, s10, $0xb8;
	[tilespmem:$0x10400] =	vst v63  }
.LBB2_2:
0x15: {  	s21 =	sshllo.u32 s20, $0x1  }
0x16: {  	s22 =	sshll.u32 s21, $0x8  }
0x17: {  	s22 =	sand.u32 $0x3FFFFF00, s22  }
0x18: {  	[tilespmem:s12], [sflag:$0x2] =	stream.indirect.gather [hbm4b:s3+s8], $0x40, s22, s8, $0xb8;
	[tilespmem:$0x10400] =	vst v63  }
0x19: {  	s22 =	sor.u32 $0x80, s22  }
0x1a: {  	[tilespmem:s13], [sflag:$0x4] =	stream.indirect.gather [hbm4b:s3+s10], $0x40, s22, s10, $0xb8;
	[tilespmem:$0x10400] =	vst v63  }
0x1b: {  	_ =	swait.ge [sflag:s14], $0x2000  }
0x1c: {  	[sflag:s14] =	ssyncset.done $0x0  }
0x1d: {  	s23 =	simm.s32 $0x8080;
	[sflag:s14] =	ssyncadd.s32 $0xFFFFE000  }
0x1e: {  	v0 =	vld [tilespmem:s23+$0x40]  }
0x1f: {  	v1 =	vld [tilespmem:s23+$0x50]  }
0x20: {  	v2 =	vld [tilespmem:s23+$0x0]  }
0x21: {  	v3 =	vld [tilespmem:s23+$0x10]  }
0x22: {  	v4 =	vld [tilespmem:s23+$0xFFFFFFC0]  }
0x23: {  	v5 =	vld [tilespmem:s23+$0xFFFFFFD0]  }
0x24: {  	v6 =	vld [tilespmem:s23+$0xFFFFFF80]  }
0x25: {  	v7 =	vld [tilespmem:s23+$0xFFFFFF90]  }
0x26: {  	v9 =	vld [tilespmem:s23+$0xFFFFFFA0]  }
0x27: {  	v12 =	vld [tilespmem:s23+$0xFFFFFFB0]  }
0x28: {  	v11 =	vld [tilespmem:s23+$0xFFFFFFE0]  }
0x29: {  	v13 =	vld [tilespmem:s23+$0xFFFFFFF0]  }
0x2a: {  	v15 =	vimm.f32 $0.0e+00;
	v8 =	vld [tilespmem:s23+$0x20]  }
0x2b: {  	v10 =	vld [tilespmem:s23+$0x30];
	v6 =	vadd.f32 v6, v15;
	v7 =	vadd.f32 v7, v15  }
0x2c: {  	v14 =	vadd.f32 v9, v15;
	v15 =	vadd.f32 v12, v15;
	v9 =	vld [tilespmem:s23+$0x60]  }
0x2d: {  	s22 =	simm.s32 $0x0;
	v12 =	vld [tilespmem:s23+$0x70];
	s23 =	simm.s32 $0x8180;
	v16 =	vadd.f32 v4, v6;
	v17 =	vadd.f32 v5, v7  }
.LBB2_3:
0x2e: {  	v4 =	vld [tilespmem:s23+$0x40];
	v5 =	vadd.f32 v11, v14;
	v6 =	vadd.f32 v13, v15  }
0x2f: {  	v7 =	vld [tilespmem:s23+$0x50];
	v11 =	vadd.f32 v2, v16;
	v13 =	vadd.f32 v3, v17  }
0x30: {  	v2 =	vld [tilespmem:s23+$0x0];
	v5 =	vadd.f32 v8, v5;
	v6 =	vadd.f32 v10, v6  }
0x31: {  	v3 =	vld [tilespmem:s23+$0x10];
	v10 =	vadd.f32 v0, v11;
	v14 =	vadd.f32 v1, v13  }
0x32: {  	v16 =	vld [tilespmem:s23+$0xFFFFFFC0];
	v5 =	vadd.f32 v9, v5;
	v6 =	vadd.f32 v12, v6  }
0x33: {  	v12 =	vld [tilespmem:s23+$0xFFFFFFD0];
	v0 =	vmov v4  }
0x34: {  	v4 =	vld [tilespmem:s23+$0xFFFFFF80];
	v1 =	vmov v7  }
0x35: {  	v7 =	vld [tilespmem:s23+$0xFFFFFF90]  }
0x36: {  	v9 =	vld [tilespmem:s23+$0xFFFFFFA0]  }
0x37: {  	s22 =	sadd.s32 $0x4, s22;
	v15 =	vld [tilespmem:s23+$0xFFFFFFB0]  }
0x38: {  	p0 =	slt.u32 s22, $0x7C;
	v11 =	vld [tilespmem:s23+$0xFFFFFFE0]  }
.Ltmp0:
0x39: {  	v13 =	vld [tilespmem:s23+$0xFFFFFFF0];
	(pc) =	sbr.rel @p0 .LBB2_3-.Ltmp0, $4  }
0x3a: {  	v8 =	vld [tilespmem:s23+$0x20]  }
0x3b: {  	v4 =	vadd.f32 v4, v10;
	v7 =	vadd.f32 v7, v14;
	v10 =	vld [tilespmem:s23+$0x30]  }
0x3c: {  	v14 =	vadd.f32 v9, v5;
	v15 =	vadd.f32 v15, v6;
	v9 =	vld [tilespmem:s23+$0x60]  }
0x3d: {  	v16 =	vadd.f32 v16, v4;
	v17 =	vadd.f32 v12, v7;
	v12 =	vld [tilespmem:s23+$0x70];
	s23 =	sadd.s32 $0x100, s23  }
0x3e: {  	_ =	swait.ge [sflag:s15], $0x1200  }
0x3f: {  	[sflag:s15] =	ssyncset.done $0x0  }
0x40: {  	s23 =	simm.s32 $0xC080;
	[sflag:s15] =	ssyncadd.s32 $0xFFFFEE00  }
0x41: {  	v4 =	vld [tilespmem:s23+$0x40]  }
0x42: {  	v5 =	vld [tilespmem:s23+$0x50]  }
0x43: {  	v6 =	vld [tilespmem:s23+$0x0]  }
0x44: {  	v7 =	vld [tilespmem:s23+$0x10]  }
0x45: {  	v18 =	vld [tilespmem:s23+$0xFFFFFFC0]  }
0x46: {  	v19 =	vld [tilespmem:s23+$0xFFFFFFD0]  }
0x47: {  	v20 =	vld [tilespmem:s23+$0xFFFFFF80]  }
0x48: {  	v21 =	vld [tilespmem:s23+$0xFFFFFF90]  }
0x49: {  	v11 =	vadd.f32 v11, v14;
	v13 =	vadd.f32 v13, v15;
	v14 =	vld [tilespmem:s23+$0xFFFFFFA0]  }
0x4a: {  	v15 =	vadd.f32 v2, v16;
	v3 =	vadd.f32 v3, v17;
	v63 =	vld [tilespmem:s23+$0xFFFFFFB0]  }
0x4b: {  	v11 =	vadd.f32 v8, v11;
	v10 =	vadd.f32 v10, v13;
	v2 =	vld [tilespmem:s23+$0xFFFFFFE0]  }
0x4c: {  	v13 =	vadd.f32 v0, v15;
	v1 =	vadd.f32 v1, v3;
	v8 =	vld [tilespmem:s23+$0xFFFFFFF0]  }
0x4d: {  	v0 =	vld [tilespmem:s23+$0x20];
	v9 =	vadd.f32 v9, v11;
	v10 =	vadd.f32 v12, v10  }
0x4e: {  	v3 =	vld [tilespmem:s23+$0x30];
	v12 =	vadd.f32 v20, v13;
	v15 =	vadd.f32 v21, v1  }
0x4f: {  	v11 =	vadd.f32 v14, v9;
	v10 =	vadd.f32 v63, v10;
	v1 =	vld [tilespmem:s23+$0x60]  }
0x50: {  	s22 =	simm.s32 $0x0;
	v9 =	vld [tilespmem:s23+$0x70];
	s23 =	simm.s32 $0xC180;
	v13 =	vadd.f32 v18, v12;
	v12 =	vadd.f32 v19, v15  }
.LBB2_5:
0x51: {  	v14 =	vld [tilespmem:s23+$0x40];
	v2 =	vadd.f32 v2, v11;
	v8 =	vadd.f32 v8, v10  }
0x52: {  	v10 =	vld [tilespmem:s23+$0x50];
	v11 =	vadd.f32 v6, v13;
	v12 =	vadd.f32 v7, v12  }
0x53: {  	v6 =	vld [tilespmem:s23+$0x0];
	v0 =	vadd.f32 v0, v2;
	v2 =	vadd.f32 v3, v8  }
0x54: {  	v7 =	vld [tilespmem:s23+$0x10];
	v3 =	vadd.f32 v4, v11;
	v11 =	vadd.f32 v5, v12  }
0x55: {  	v12 =	vld [tilespmem:s23+$0xFFFFFFC0];
	v1 =	vadd.f32 v1, v0;
	v9 =	vadd.f32 v9, v2  }
0x56: {  	v15 =	vld [tilespmem:s23+$0xFFFFFFD0];
	v4 =	vmov v14  }
0x57: {  	v13 =	vld [tilespmem:s23+$0xFFFFFF80];
	v5 =	vmov v10  }
0x58: {  	v10 =	vld [tilespmem:s23+$0xFFFFFF90]  }
0x59: {  	v14 =	vld [tilespmem:s23+$0xFFFFFFA0]  }
0x5a: {  	s22 =	sadd.s32 $0x4, s22;
	v16 =	vld [tilespmem:s23+$0xFFFFFFB0]  }
0x5b: {  	p0 =	slt.u32 s22, $0x44;
	v2 =	vld [tilespmem:s23+$0xFFFFFFE0]  }
.Ltmp1:
0x5c: {  	v8 =	vld [tilespmem:s23+$0xFFFFFFF0];
	(pc) =	sbr.rel @p0 .LBB2_5-.Ltmp1, $4  }
0x5d: {  	v0 =	vld [tilespmem:s23+$0x20]  }
0x5e: {  	v13 =	vadd.f32 v13, v3;
	v17 =	vadd.f32 v10, v11;
	v3 =	vld [tilespmem:s23+$0x30]  }
0x5f: {  	v11 =	vadd.f32 v14, v1;
	v10 =	vadd.f32 v16, v9;
	v1 =	vld [tilespmem:s23+$0x60]  }
0x60: {  	v13 =	vadd.f32 v12, v13;
	v12 =	vadd.f32 v15, v17;
	v9 =	vld [tilespmem:s23+$0x70];
	s23 =	sadd.s32 $0x100, s23  }
0x61: {  	_ = 	snop  }
0x62: {  	v2 =	vadd.f32 v2, v11;
	v6 =	vadd.f32 v6, v13  }
0x63: {  	v8 =	vadd.f32 v8, v10;
	v7 =	vadd.f32 v7, v12  }
0x64: {  	s22 =	sshll.u32 s20, $0x7;
	v0 =	vadd.f32 v0, v2;
	v2 =	vadd.f32 v4, v6  }
0x65: {  	s22 =	sand.u32 $0x3FFFFF80, s22;
	v3 =	vadd.f32 v3, v8;
	v4 =	vadd.f32 v5, v7  }
0x66: {  	p0 =	seq.s32 s20, $0x3F;
	v0 =	vadd.f32 v1, v0;
	[tilespmem:s22+$0xE400] =	vst v2  }
0x67: {  	s23 =	sshll.u32 @!p0 s20, $0x9;
	v1 =	vadd.f32 v9, v3;
	[tilespmem:s22+$0xE410] =	vst v4  }
0x68: {  	s23 =	sand.u32 @!p0 $0x3FFFFE00, s23;
	[tilespmem:s22+$0xE420] =	vst v0  }
0x69: {  	s24 =	simm.s32 @!p0 $0x80;
	s25 =	simm.s32 @!p0 $0x8000;
	[tilespmem:s22+$0xE430] =	vst v1;
	s22 =	sadd.s32 @!p0 $0x200, s23  }
0x6a: {  	[tilespmem:s25], [sflag:$0x1] =	stream.indirect.gather @!p0 [hbm4b:s3+s24], $0x40, s22, s24, $0xb8;
	[tilespmem:$0x10400] =	vst v63  }
0x6b: {  	s22 =	sadd.s32 @!p0 $0x280, s23;
	s23 =	simm.s32 @!p0 $0x48;
	s24 =	simm.s32 @!p0 $0xC000  }
0x6c: {  	[tilespmem:s24], [sflag:$0x3] =	stream.indirect.gather @!p0 [hbm4b:s3+s23], $0x40, s22, s23, $0xb8;
	[tilespmem:$0x10400] =	vst v63  }
0x6d: {  	_ =	swait.ge [sflag:s16], $0x2000  }
0x6e: {  	[sflag:s16] =	ssyncset.done $0x0  }
0x6f: {  	s31 =	simm.s32 $0xA080;
	[sflag:s16] =	ssyncadd.s32 $0xFFFFE000  }
0x70: {  	v0 =	vld [tilespmem:s31+$0x40]  }
0x71: {  	v1 =	vld [tilespmem:s31+$0x50]  }
0x72: {  	v2 =	vld [tilespmem:s31+$0x0]  }
0x73: {  	v3 =	vld [tilespmem:s31+$0x10]  }
0x74: {  	v4 =	vld [tilespmem:s31+$0xFFFFFFC0]  }
0x75: {  	v5 =	vld [tilespmem:s31+$0xFFFFFFD0]  }
0x76: {  	v6 =	vld [tilespmem:s31+$0xFFFFFF80]  }
0x77: {  	v7 =	vld [tilespmem:s31+$0xFFFFFF90]  }
0x78: {  	v9 =	vld [tilespmem:s31+$0xFFFFFFA0]  }
0x79: {  	v12 =	vld [tilespmem:s31+$0xFFFFFFB0]  }
0x7a: {  	v11 =	vld [tilespmem:s31+$0xFFFFFFE0]  }
0x7b: {  	v13 =	vld [tilespmem:s31+$0xFFFFFFF0]  }
0x7c: {  	v15 =	vimm.f32 $0.0e+00;
	v8 =	vld [tilespmem:s31+$0x20]  }
0x7d: {  	v10 =	vld [tilespmem:s31+$0x30];
	v6 =	vadd.f32 v6, v15;
	v7 =	vadd.f32 v7, v15  }
0x7e: {  	v14 =	vadd.f32 v9, v15;
	v15 =	vadd.f32 v12, v15;
	v9 =	vld [tilespmem:s31+$0x60]  }
0x7f: {  	s22 =	simm.s32 $0x0;
	s23 =	simm.s32 $0xA180;
	v12 =	vld [tilespmem:s31+$0x70];
	v16 =	vadd.f32 v4, v6;
	v17 =	vadd.f32 v5, v7  }
.LBB2_7:
0x80: {  	v4 =	vld [tilespmem:s23+$0x40];
	v5 =	vadd.f32 v11, v14;
	v6 =	vadd.f32 v13, v15  }
0x81: {  	v7 =	vld [tilespmem:s23+$0x50];
	v11 =	vadd.f32 v2, v16;
	v13 =	vadd.f32 v3, v17  }
0x82: {  	v2 =	vld [tilespmem:s23+$0x0];
	v5 =	vadd.f32 v8, v5;
	v6 =	vadd.f32 v10, v6  }
0x83: {  	v3 =	vld [tilespmem:s23+$0x10];
	v10 =	vadd.f32 v0, v11;
	v14 =	vadd.f32 v1, v13  }
0x84: {  	v16 =	vld [tilespmem:s23+$0xFFFFFFC0];
	v5 =	vadd.f32 v9, v5;
	v6 =	vadd.f32 v12, v6  }
0x85: {  	v12 =	vld [tilespmem:s23+$0xFFFFFFD0];
	v0 =	vmov v4  }
0x86: {  	v4 =	vld [tilespmem:s23+$0xFFFFFF80];
	v1 =	vmov v7  }
0x87: {  	v7 =	vld [tilespmem:s23+$0xFFFFFF90]  }
0x88: {  	v9 =	vld [tilespmem:s23+$0xFFFFFFA0]  }
0x89: {  	s22 =	sadd.s32 $0x4, s22;
	v15 =	vld [tilespmem:s23+$0xFFFFFFB0]  }
0x8a: {  	p0 =	slt.u32 s22, $0x7C;
	v11 =	vld [tilespmem:s23+$0xFFFFFFE0]  }
.Ltmp2:
0x8b: {  	v13 =	vld [tilespmem:s23+$0xFFFFFFF0];
	(pc) =	sbr.rel @p0 .LBB2_7-.Ltmp2, $4  }
0x8c: {  	v8 =	vld [tilespmem:s23+$0x20]  }
0x8d: {  	v4 =	vadd.f32 v4, v10;
	v7 =	vadd.f32 v7, v14;
	v10 =	vld [tilespmem:s23+$0x30]  }
0x8e: {  	v14 =	vadd.f32 v9, v5;
	v15 =	vadd.f32 v15, v6;
	v9 =	vld [tilespmem:s23+$0x60]  }
0x8f: {  	v16 =	vadd.f32 v16, v4;
	v17 =	vadd.f32 v12, v7;
	v12 =	vld [tilespmem:s23+$0x70];
	s23 =	sadd.s32 $0x100, s23  }
0x90: {  	_ =	swait.ge [sflag:s17], $0x1200  }
0x91: {  	[sflag:s17] =	ssyncset.done $0x0  }
0x92: {  	s23 =	simm.s32 $0xD280;
	[sflag:s17] =	ssyncadd.s32 $0xFFFFEE00  }
0x93: {  	v4 =	vld [tilespmem:s23+$0x40]  }
0x94: {  	v5 =	vld [tilespmem:s23+$0x50]  }
0x95: {  	v6 =	vld [tilespmem:s23+$0x0]  }
0x96: {  	v7 =	vld [tilespmem:s23+$0x10]  }
0x97: {  	v18 =	vld [tilespmem:s23+$0xFFFFFFC0]  }
0x98: {  	v19 =	vld [tilespmem:s23+$0xFFFFFFD0]  }
0x99: {  	v20 =	vld [tilespmem:s23+$0xFFFFFF80]  }
0x9a: {  	v21 =	vld [tilespmem:s23+$0xFFFFFF90]  }
0x9b: {  	v11 =	vadd.f32 v11, v14;
	v13 =	vadd.f32 v13, v15;
	v14 =	vld [tilespmem:s23+$0xFFFFFFA0]  }
0x9c: {  	v15 =	vadd.f32 v2, v16;
	v3 =	vadd.f32 v3, v17;
	v63 =	vld [tilespmem:s23+$0xFFFFFFB0]  }
0x9d: {  	v11 =	vadd.f32 v8, v11;
	v10 =	vadd.f32 v10, v13;
	v2 =	vld [tilespmem:s23+$0xFFFFFFE0]  }
0x9e: {  	v13 =	vadd.f32 v0, v15;
	v1 =	vadd.f32 v1, v3;
	v8 =	vld [tilespmem:s23+$0xFFFFFFF0]  }
0x9f: {  	v0 =	vld [tilespmem:s23+$0x20];
	v9 =	vadd.f32 v9, v11;
	v10 =	vadd.f32 v12, v10  }
0xa0: {  	v3 =	vld [tilespmem:s23+$0x30];
	v12 =	vadd.f32 v20, v13;
	v15 =	vadd.f32 v21, v1  }
0xa1: {  	v11 =	vadd.f32 v14, v9;
	v10 =	vadd.f32 v63, v10;
	v1 =	vld [tilespmem:s23+$0x60]  }
0xa2: {  	s22 =	simm.s32 $0x0;
	v9 =	vld [tilespmem:s23+$0x70];
	s23 =	simm.s32 $0xD380;
	v13 =	vadd.f32 v18, v12;
	v12 =	vadd.f32 v19, v15  }
.LBB2_9:
0xa3: {  	v14 =	vld [tilespmem:s23+$0x40];
	v2 =	vadd.f32 v2, v11;
	v8 =	vadd.f32 v8, v10  }
0xa4: {  	v10 =	vld [tilespmem:s23+$0x50];
	v11 =	vadd.f32 v6, v13;
	v12 =	vadd.f32 v7, v12  }
0xa5: {  	v6 =	vld [tilespmem:s23+$0x0];
	v0 =	vadd.f32 v0, v2;
	v2 =	vadd.f32 v3, v8  }
0xa6: {  	v7 =	vld [tilespmem:s23+$0x10];
	v3 =	vadd.f32 v4, v11;
	v11 =	vadd.f32 v5, v12  }
0xa7: {  	v12 =	vld [tilespmem:s23+$0xFFFFFFC0];
	v1 =	vadd.f32 v1, v0;
	v9 =	vadd.f32 v9, v2  }
0xa8: {  	v15 =	vld [tilespmem:s23+$0xFFFFFFD0];
	v4 =	vmov v14  }
0xa9: {  	v13 =	vld [tilespmem:s23+$0xFFFFFF80];
	v5 =	vmov v10  }
0xaa: {  	v10 =	vld [tilespmem:s23+$0xFFFFFF90]  }
0xab: {  	v14 =	vld [tilespmem:s23+$0xFFFFFFA0]  }
0xac: {  	s22 =	sadd.s32 $0x4, s22;
	v16 =	vld [tilespmem:s23+$0xFFFFFFB0]  }
0xad: {  	p0 =	slt.u32 s22, $0x44;
	v2 =	vld [tilespmem:s23+$0xFFFFFFE0]  }
.Ltmp3:
0xae: {  	v8 =	vld [tilespmem:s23+$0xFFFFFFF0];
	(pc) =	sbr.rel @p0 .LBB2_9-.Ltmp3, $4  }
0xaf: {  	v0 =	vld [tilespmem:s23+$0x20]  }
0xb0: {  	v13 =	vadd.f32 v13, v3;
	v17 =	vadd.f32 v10, v11;
	v3 =	vld [tilespmem:s23+$0x30]  }
0xb1: {  	v11 =	vadd.f32 v14, v1;
	v10 =	vadd.f32 v16, v9;
	v1 =	vld [tilespmem:s23+$0x60]  }
0xb2: {  	v13 =	vadd.f32 v12, v13;
	v12 =	vadd.f32 v15, v17;
	v9 =	vld [tilespmem:s23+$0x70];
	s23 =	sadd.s32 $0x100, s23  }
0xb3: {  	_ = 	snop  }
0xb4: {  	v2 =	vadd.f32 v2, v11;
	v6 =	vadd.f32 v6, v13  }
0xb5: {  	v8 =	vadd.f32 v8, v10;
	s20 =	sadd.s32 $0x1, s20;
	v7 =	vadd.f32 v7, v12  }
0xb6: {  	s21 =	sshll.u32 s21, $0x6;
	p0 =	sne.s32 s20, $0x40;
	v0 =	vadd.f32 v0, v2;
	v61 =	vadd.f32 v4, v6  }
.Ltmp4:
0xb7: {  	s21 =	sand.u32 $0x3FFFFFC0, s21;
	v3 =	vadd.f32 v3, v8;
	v62 =	vadd.f32 v5, v7;
	(pc) =	sbr.rel @p0 .LBB2_2-.Ltmp4, $4  }
0xb8: {  	v0 =	vadd.f32 v1, v0;
	[tilespmem:s21+$0xE400] =	vst v61  }
0xb9: {  	v63 =	vadd.f32 v9, v3;
	[tilespmem:s21+$0xE410] =	vst v62  }
0xba: {  	[tilespmem:s21+$0xE420] =	vst v0  }
0xbb: {  	[tilespmem:s21+$0xE430] =	vst v63  }
0xbc: {  	s19 =	sadd.s32 $0x1, s19  }
0xbd: {  	p0 =	sne.s32 s19, s6  }
.Ltmp5:
0xbe: {  	_ = 	snop;
	(pc) =	sbr.rel @p0 .LBB2_1-.Ltmp5, $4  }
0xbf: {  	[hbm4b:s5+s2] =	stream.linear.scatter [tilespmem:s18], [sflag:$0x5], $0x2000, $0x38;
	[tilespmem:$0x10400] =	vst v63  }
0xc0: {  	_ =	swait.ge [sflag:s7], $0x2000  }
0xc1: {  	[sflag:s7] =	ssyncset.done $0x0  }
0xc2: {  	[sflag:s7] =	ssyncadd.s32 $0xFFFFE000  }
0xc3: {  	_ =	sfence.sel $0x180000  }
0xc4: {  	[bflag:$0x0] =	sbarrier.arrive $0xFFFF  }
0xc5: {  	p0 =	sne.s32 s1, $0x0;
	_ =	strace $0x90000047  }
0xc6: {  	s0 =	sadd.s32 @!p0 $0x100000, s0;
	[bflag:$0x2] =	sbarrier.arrive $0xFFFF  }
0xc7: {  	[sflag:s0] =	ssyncadd.tile.s32 @!p0 $0x1;
	_ =	shalt  }
.Lfunc_end2:
_tile_overlayer_lowered:
.L_overlay_start_2:
0xc8: {  	(tag) =	ssettag $0x2  }
0xc9: {  	s0 =	rddreg [dreg:$0x0];
	s2 =	stileid.u32  }
0xca: {  	s1 =	rddreg [dreg:$0x1];
	p0 =	sne.s32 s2, $0x0  }
0xcb: {  	s3 =	rddreg [dreg:$0x2];
	[bflag:$0x3] =	sbarrier.arrive $0xFFFF;
	s2 =	simm.s32 @!p0 $0x1C05  }
0xcc: {  	[timem:s3], [sflag:s2] =	dma.local @!p0 [hbm:s0], s1  }
0xcd: {  	s0 =	simm.s32 @!p0 $0x5  }
0xce: {  	_ =	swait.ge @!p0 [sflag:s0], s1  }
0xcf: {  	s1 =	ssub.s32 @!p0 $0x0, s1;
	[sflag:s0] =	ssyncset.done @!p0 $0x0  }
0xd0: {  	[sflag:s0] =	ssyncadd.s32 @!p0 s1  }
0xd1: {  	[bflag:$0x3] =	sbarrier.arrive $0xFFFF  }
0xd2: {  	_ =	shalt  }

</sc_bundles>
